<compile_context>
chip_gen: v7x
topology: tpu7x:2x2x1
jax: 0.10.2.dev20260603
libtpu: 0.0.44.dev20260713+nightly
codegen_flags: <defaults>
</compile_context>

<pallas_src>
import functools

import jax
import jax.numpy as jnp
from jax import lax
from jax.experimental import pallas as pl
from jax.experimental.pallas import tpu as pltpu
from jax.experimental.pallas import tpu_sc as plsc

N_VOCAB = 1000000
N_DENSE = 13
N_SPARSE = 26
D_EMB = 64

NC = 2
NS = 16
NW = NC * NS
CH = 128
NBUF = 4


def _gather_body(table_hbm, idx_hbm, out_hbm, catv, rows_v, gsem,
                 nch, batch):
    wid = lax.axis_index("s") * NC + lax.axis_index("c")
    per_w = nch * CH
    slab = 2 * batch
    runlen = per_w // 2

    d0 = wid * per_w
    k0 = d0 // slab
    k1 = (d0 + per_w - 1) // slab
    b00 = (d0 - k0 * slab) // 2

    al = lambda v: pl.multiple_of(v, 8)
    pltpu.sync_copy(idx_hbm.at[pl.ds(al(k0 * slab + b00), runlen)],
                    catv.at[0])
    pltpu.sync_copy(idx_hbm.at[pl.ds(al(k0 * slab + batch + b00), runlen)],
                    catv.at[1])
    pltpu.sync_copy(idx_hbm.at[pl.ds(al(k1 * slab), runlen)], catv.at[2])
    pltpu.sync_copy(idx_hbm.at[pl.ds(al(k1 * slab + batch), runlen)],
                    catv.at[3])

    half = CH // 2

    def fire(j, slot):
        d = d0 + j * CH
        k = d // slab
        colbase = (d - k * slab) // 2 - jnp.where(k == k0, b00, 0)
        colbase = pl.multiple_of(colbase, 8)
        rsel = jnp.where(k == k0, 0, 2)
        idx0 = catv.at[rsel, pl.ds(colbase, half)]
        idx1 = catv.at[rsel + 1, pl.ds(colbase, half)]
        pltpu.async_copy(table_hbm.at[idx0], rows_v.at[slot, 0], gsem)
        pltpu.async_copy(table_hbm.at[idx1], rows_v.at[slot, 1], gsem)

    def drain(slot):
        for h in range(2):
            pltpu.make_async_copy(
                table_hbm.at[catv.at[0, pl.ds(0, half)]],
                rows_v.at[slot, h], gsem
            ).wait()

    for b in range(NBUF):
        fire(b, b)

    n_outer = nch // NBUF

    def outer(g, _):
        for b in range(NBUF):
            j = g * NBUF + b
            drain(b)
            rb = d0 // 2 + j * half
            pltpu.sync_copy(
                rows_v.at[b, 0].at[:, pl.ds(0, D_EMB)],
                out_hbm.at[pl.ds(rb, half), pl.ds(0, D_EMB)])
            pltpu.sync_copy(
                rows_v.at[b, 1].at[:, pl.ds(0, D_EMB)],
                out_hbm.at[pl.ds(rb, half), pl.ds(D_EMB, D_EMB)])

            @pl.when(g + 1 < n_outer)
            def _():
                fire(j + NBUF, b)

        return ()

    lax.fori_loop(0, n_outer, outer, (), unroll=False)


def _sc_gather(table_pad, idx_fm, nch, batch):
    n = idx_fm.shape[0]
    mesh = plsc.VectorSubcoreMesh(
        core_axis_name="c", subcore_axis_name="s", num_cores=NC,
        num_subcores=NS,
    )
    kern = pl.kernel(
        functools.partial(_gather_body, nch=nch, batch=batch),
        out_type=jax.ShapeDtypeStruct((n // 2, 2 * D_EMB), jnp.float32),
        mesh=mesh,
        scratch_types=[
            pltpu.VMEM((4, (nch * CH) // 2), jnp.int32),
            pltpu.VMEM((NBUF, 2, CH // 2, 2 * D_EMB), jnp.float32),
            pltpu.SemaphoreType.DMA,
        ],
        compiler_params=pltpu.CompilerParams(use_tc_tiling_on_sc=False),
    )
    return kern(table_pad, idx_fm)


def _tpose_body(tt_ref, eye_ref, out_ref):
    out_ref[...] = lax.dot_general(
        tt_ref[...], eye_ref[...], (((0,), (0,)), ((), ())),
        preferred_element_type=jnp.float32)


def _tc_transpose(tt, eye_pad, bk=16384):
    v = tt.shape[1]
    grid = ((v + bk - 1) // bk,)
    return pl.pallas_call(
        _tpose_body,
        grid=grid,
        in_specs=[pl.BlockSpec((D_EMB, bk), lambda i: (0, i)),
                  pl.BlockSpec((D_EMB, 2 * D_EMB), lambda i: (0, 0))],
        out_specs=pl.BlockSpec((bk, 2 * D_EMB), lambda i: (i, 0)),
        out_shape=jax.ShapeDtypeStruct((v, 2 * D_EMB), jnp.float32),
    )(tt, eye_pad)


def _mlp_body(dense_ref, emb_ref,
              wb0_ref, bb0_ref, wb1_ref, bb1_ref, wb2_ref, bb2_ref,
              w0d_ref, w0e_ref, bt0_ref, wt1_ref, bt1_ref,
              wt2_ref, bt2_ref, wt3_ref, bt3_ref, wo_ref, bo_ref,
              out_ref):
    f32 = jnp.float32
    bf = jnp.bfloat16

    def mm(a, b_ref):
        return jnp.dot(a.astype(bf), b_ref[...].astype(bf),
                       preferred_element_type=f32)

    d = dense_ref[...]
    bot = jax.nn.relu(jnp.dot(d, wb0_ref[...], preferred_element_type=f32)
                      + bb0_ref[...])
    bot = bot + jax.nn.relu(mm(bot, wb1_ref) + bb1_ref[...])
    bot = bot + jax.nn.relu(mm(bot, wb2_ref) + bb2_ref[...])

    acc = mm(bot, w0d_ref) + bt0_ref[...]
    for kk in range(N_SPARSE // 2):
        acc = acc + jnp.dot(emb_ref[kk].astype(bf), w0e_ref[kk].astype(bf),
                            preferred_element_type=f32)
    top = jax.nn.relu(acc)
    top = top + jax.nn.relu(mm(top, wt1_ref) + bt1_ref[...])
    top = top + jax.nn.relu(mm(top, wt2_ref) + bt2_ref[...])
    top = top + jax.nn.relu(mm(top, wt3_ref) + bt3_ref[...])
    out_ref[...] = (jnp.dot(top, wo_ref[...], preferred_element_type=f32)
                    + bo_ref[...])


def _tc_mlp(dense, emb, W_bot0, b_bot0, W_bot1, b_bot1, W_bot2, b_bot2,
            W0d, W0e, b_top0, W_top1, b_top1, W_top2, b_top2,
            W_top3, b_top3, W_out, b_out, block_rows):
    batch = dense.shape[0]
    grid = (batch // block_rows,)

    def row_spec(cols):
        return pl.BlockSpec((block_rows, cols), lambda i: (i, 0))

    def full_spec(a):
        return pl.BlockSpec(a.shape, lambda i: (0,) * a.ndim)

    emb_spec = pl.BlockSpec((N_SPARSE // 2, block_rows, 128),
                            lambda i: (0, i, 0))

    weights = (W_bot0, b_bot0, W_bot1, b_bot1, W_bot2, b_bot2,
               W0d, W0e, b_top0, W_top1, b_top1, W_top2, b_top2,
               W_top3, b_top3, W_out, b_out)

    return pl.pallas_call(
        _mlp_body,
        grid=grid,
        in_specs=[row_spec(N_DENSE), emb_spec]
                 + [full_spec(w) for w in weights],
        out_specs=row_spec(1),
        out_shape=jax.ShapeDtypeStruct((batch, 1), jnp.float32),
    )(dense, emb, *weights)


def kernel(x, W_bot0, b_bot0, W_bot1, b_bot1, W_bot2, b_bot2, emb_table,
           W_top0, b_top0, W_top1, b_top1, W_top2, b_top2, W_top3, b_top3,
           W_out, b_out):
    batch = x.shape[0]
    dense = x[:, :N_DENSE]
    n = batch * N_SPARSE
    per_w = n // NW
    nch = per_w // CH
    cat = x[:, N_DENSE:].astype(jnp.int32) % N_VOCAB
    idx_fm = cat.T.reshape(-1)
    eye_pad = jnp.eye(D_EMB, 2 * D_EMB, dtype=jnp.float32)
    table_pad = _tc_transpose(emb_table.T, eye_pad)

    emb = _sc_gather(table_pad, idx_fm, nch, batch)
    emb = emb.reshape(N_SPARSE // 2, batch, 128)

    W0d = W_top0[:256]
    W0e = W_top0[256:].reshape(N_SPARSE // 2, 128, 256)
    row = lambda v: v.reshape(1, -1)
    return _tc_mlp(
        dense, emb, W_bot0, row(b_bot0), W_bot1, row(b_bot1), W_bot2,
        row(b_bot2), W0d, W0e, row(b_top0), W_top1, row(b_top1), W_top2,
        row(b_top2), W_top3, row(b_top3), W_out, row(b_out),
        block_rows=1024)

# --- scband reference (transcript-rebuilt; emitter-appended) ---
"""Pipeline reference for scband-dlrmres-net-3504693313557 (READ-ONLY COPY).

The authoritative reference and input builder live on the scoring server;
editing this copy changes nothing except your own understanding.
"""

import jax, jax.numpy as jnp
import numpy as np

VOCAB = 1000000
B = 16384
NUM_DENSE = 13
NUM_SPARSE = 26
EMBED = 64
D_TOP_IN = 256 + NUM_SPARSE * EMBED


def setup_inputs(seed: int = 0) -> dict:
    key = jax.random.key(seed)
    ks = jax.random.split(key, 20)
    dense = jax.random.normal(ks[0], (B, NUM_DENSE), jnp.float32)
    cats = jax.random.randint(ks[1], (B, NUM_SPARSE), 0, VOCAB).astype(jnp.float32)
    x = jnp.concatenate([dense, cats], axis=1)

    def dw(k, fi, fo):
        return jax.random.normal(k, (fi, fo), jnp.float32) * jnp.sqrt(2.0 / (fi + fo))

    def db(k, fo):
        return jax.random.normal(k, (fo,), jnp.float32) * jnp.sqrt(1.0 / fo)

    inp = {"x": x}
    inp["W_bot0"] = dw(ks[2], NUM_DENSE, 256); inp["b_bot0"] = db(ks[3], 256)
    inp["W_bot1"] = dw(ks[4], 256, 256); inp["b_bot1"] = db(ks[5], 256)
    inp["W_bot2"] = dw(ks[6], 256, 256); inp["b_bot2"] = db(ks[7], 256)
    inp["emb_table"] = jax.random.uniform(ks[8], (VOCAB, EMBED), jnp.float32) / jnp.sqrt(VOCAB)
    inp["W_top0"] = dw(ks[9], D_TOP_IN, 256); inp["b_top0"] = db(ks[10], 256)
    inp["W_top1"] = dw(ks[11], 256, 256); inp["b_top1"] = db(ks[12], 256)
    inp["W_top2"] = dw(ks[13], 256, 256); inp["b_top2"] = db(ks[14], 256)
    inp["W_top3"] = dw(ks[15], 256, 256); inp["b_top3"] = db(ks[16], 256)
    inp["W_out"] = dw(ks[17], 256, 1); inp["b_out"] = db(ks[18], 1)
    return inp


def reference(x, W_bot0, b_bot0, W_bot1, b_bot1, W_bot2, b_bot2, emb_table,
              W_top0, b_top0, W_top1, b_top1, W_top2, b_top2, W_top3, b_top3,
              W_out, b_out):
    dense = x[:, :NUM_DENSE]
    cat = x[:, NUM_DENSE:]
    idx = jnp.reshape(cat.astype(jnp.int32), (-1,)) % VOCAB
    # bottom MLP with residual adds
    bot = jax.nn.relu(dense @ W_bot0 + b_bot0)
    bot = bot + jax.nn.relu(bot @ W_bot1 + b_bot1)
    bot = bot + jax.nn.relu(bot @ W_bot2 + b_bot2)
    # unified embedding table lookup (SparseCore gather)
    emb = jnp.take(emb_table, idx, axis=0).reshape(x.shape[0], NUM_SPARSE * EMBED)
    top = jnp.concatenate([bot, emb], axis=1)
    # top MLP with residual adds (dropout_rate = 0)
    top = jax.nn.relu(top @ W_top0 + b_top0)
    top = top + jax.nn.relu(top @ W_top1 + b_top1)
    top = top + jax.nn.relu(top @ W_top2 + b_top2)
    top = top + jax.nn.relu(top @ W_top3 + b_top3)
    logits = top @ W_out + b_out
    return logits

if __name__ == "__main__":
    import jax
    _d = setup_inputs()
    print(jax.jit(kernel)(*tuple(_d.values())))

</pallas_src>

<mosaic_0001>
#map = affine_map<(d0, d1) -> (0, 0)>
#map1 = affine_map<(d0, d1) -> (0)>
module attributes {stable_mosaic.version = 14 : i64} {
  func.func @_gather_body(%arg0: i32, %arg1: i32, %arg2: memref<1000000x128xf32, #tpu.memory_space<hbm>>, %arg3: memref<425984xi32, #tpu.memory_space<hbm>>, %arg4: memref<212992x128xf32, #tpu.memory_space<hbm>>, %arg5: memref<4x6656xi32, #tpu.memory_space<vmem>>, %arg6: memref<4x2x64x128xf32, #tpu.memory_space<vmem>>, %arg7: memref<!tpu.dma_semaphore, #tpu.memory_space<semaphore_mem>>) attributes {dimension_semantics = [#tpu.dimension_semantics<core_parallel>, #tpu.dimension_semantics<subcore_parallel>], iteration_bounds = array<i64: 2, 16>, scalar_prefetch = 0 : i64, scratch_operands = 3 : i64, tpu.core_type = #tpu.core_type<sc_vector_subcore>, window_params = [{transform_indices = #map}, {transform_indices = #map1}, {transform_indices = #map}]} {
    %mul3A = arith.constant 2 : i32
    %mul3A_0 = arith.muli %arg1, %mul3A : i32
    %add3A = arith.addi %mul3A_0, %arg0 : i32
    %mul3A_1 = arith.constant 13312 : i32
    %mul3A_2 = arith.muli %add3A, %mul3A_1 : i32
    %jit3A = arith.constant 32768 : i32
    %div3A = arith.divsi %mul3A_2, %jit3A : i32
    %sign3A = arith.constant 0 : i32
    %sign3A_3 = arith.cmpi sgt, %mul3A_2, %sign3A : i32
    %sign3A_4 = arith.extui %sign3A_3 : i1 to i32
    %sign3A_5 = arith.constant 0 : i32
    %sign3A_6 = arith.cmpi slt, %mul3A_2, %sign3A_5 : i32
    %sign3A_7 = arith.extui %sign3A_6 : i1 to i32
    %sign3A_8 = arith.subi %sign3A_4, %sign3A_7 : i32
    %sign3A_9 = arith.constant 0 : i32
    %sign3A_10 = arith.cmpi sgt, %jit3A, %sign3A_9 : i32
    %sign3A_11 = arith.extui %sign3A_10 : i1 to i32
    %sign3A_12 = arith.constant 0 : i32
    %sign3A_13 = arith.cmpi slt, %jit3A, %sign3A_12 : i32
    %sign3A_14 = arith.extui %sign3A_13 : i1 to i32
    %sign3A_15 = arith.subi %sign3A_11, %sign3A_14 : i32
    %ne3A = arith.cmpi ne, %sign3A_8, %sign3A_15 : i32
    %rem3A = arith.remsi %mul3A_2, %jit3A : i32
    %ne3A_16 = arith.constant 0 : i32
    %ne3A_17 = arith.cmpi ne, %rem3A, %ne3A_16 : i32
    %and3A = arith.andi %ne3A, %ne3A_17 : i1
    %sub3A = arith.constant 1 : i32
    %sub3A_18 = arith.subi %div3A, %sub3A : i32
    %select_n3A = arith.select %and3A, %sub3A_18, %div3A : i32
    %add3A_19 = arith.constant 13312 : i32
    %add3A_20 = arith.addi %mul3A_2, %add3A_19 : i32
    %sub3A_21 = arith.constant 1 : i32
    %sub3A_22 = arith.subi %add3A_20, %sub3A_21 : i32
    %jit3A_23 = arith.constant 32768 : i32
    %div3A_24 = arith.divsi %sub3A_22, %jit3A_23 : i32
    %sign3A_25 = arith.constant 0 : i32
    %sign3A_26 = arith.cmpi sgt, %sub3A_22, %sign3A_25 : i32
    %sign3A_27 = arith.extui %sign3A_26 : i1 to i32
    %sign3A_28 = arith.constant 0 : i32
    %sign3A_29 = arith.cmpi slt, %sub3A_22, %sign3A_28 : i32
    %sign3A_30 = arith.extui %sign3A_29 : i1 to i32
    %sign3A_31 = arith.subi %sign3A_27, %sign3A_30 : i32
    %sign3A_32 = arith.constant 0 : i32
    %sign3A_33 = arith.cmpi sgt, %jit3A_23, %sign3A_32 : i32
    %sign3A_34 = arith.extui %sign3A_33 : i1 to i32
    %sign3A_35 = arith.constant 0 : i32
    %sign3A_36 = arith.cmpi slt, %jit3A_23, %sign3A_35 : i32
    %sign3A_37 = arith.extui %sign3A_36 : i1 to i32
    %sign3A_38 = arith.subi %sign3A_34, %sign3A_37 : i32
    %ne3A_39 = arith.cmpi ne, %sign3A_31, %sign3A_38 : i32
    %rem3A_40 = arith.remsi %sub3A_22, %jit3A_23 : i32
    %ne3A_41 = arith.constant 0 : i32
    %ne3A_42 = arith.cmpi ne, %rem3A_40, %ne3A_41 : i32
    %and3A_43 = arith.andi %ne3A_39, %ne3A_42 : i1
    %sub3A_44 = arith.constant 1 : i32
    %sub3A_45 = arith.subi %div3A_24, %sub3A_44 : i32
    %select_n3A_46 = arith.select %and3A_43, %sub3A_45, %div3A_24 : i32
    %mul3A_47 = arith.constant 32768 : i32
    %mul3A_48 = arith.muli %select_n3A, %mul3A_47 : i32
    %sub3A_49 = arith.subi %mul3A_2, %mul3A_48 : i32
    %jit3A_50 = arith.constant 2 : i32
    %div3A_51 = arith.divsi %sub3A_49, %jit3A_50 : i32
    %sign3A_52 = arith.constant 0 : i32
    %sign3A_53 = arith.cmpi sgt, %sub3A_49, %sign3A_52 : i32
    %sign3A_54 = arith.extui %sign3A_53 : i1 to i32
    %sign3A_55 = arith.constant 0 : i32
    %sign3A_56 = arith.cmpi slt, %sub3A_49, %sign3A_55 : i32
    %sign3A_57 = arith.extui %sign3A_56 : i1 to i32
    %sign3A_58 = arith.subi %sign3A_54, %sign3A_57 : i32
    %sign3A_59 = arith.constant 0 : i32
    %sign3A_60 = arith.cmpi sgt, %jit3A_50, %sign3A_59 : i32
    %sign3A_61 = arith.extui %sign3A_60 : i1 to i32
    %sign3A_62 = arith.constant 0 : i32
    %sign3A_63 = arith.cmpi slt, %jit3A_50, %sign3A_62 : i32
    %sign3A_64 = arith.extui %sign3A_63 : i1 to i32
    %sign3A_65 = arith.subi %sign3A_61, %sign3A_64 : i32
    %ne3A_66 = arith.cmpi ne, %sign3A_58, %sign3A_65 : i32
    %rem3A_67 = arith.remsi %sub3A_49, %jit3A_50 : i32
    %ne3A_68 = arith.constant 0 : i32
    %ne3A_69 = arith.cmpi ne, %rem3A_67, %ne3A_68 : i32
    %and3A_70 = arith.andi %ne3A_66, %ne3A_69 : i1
    %sub3A_71 = arith.constant 1 : i32
    %sub3A_72 = arith.subi %div3A_51, %sub3A_71 : i32
    %select_n3A_73 = arith.select %and3A_70, %sub3A_72, %div3A_51 : i32
    %mul3A_74 = arith.constant 32768 : i32
    %mul3A_75 = arith.muli %select_n3A, %mul3A_74 : i32
    %add3A_76 = arith.addi %mul3A_75, %select_n3A_73 : i32
    %multiple_of3A = tpu.assume_multiple %add3A_76, 8 : i32
    %run_scoped3A = arith.constant 0 : i32
    "tpu.region"() ({
      %run_scoped3A_440 = tpu.sem_alloc : memref<!tpu.dma_semaphore, #tpu.memory_space<semaphore_mem>>
      %dma_start3A_441 = arith.constant 0 : i32
      %dma_start3A_442 = tpu.memref_slice %arg5[%run_scoped3A, %dma_start3A_441] : memref<4x6656xi32, #tpu.memory_space<vmem>> -> memref<1x6656xi32, #tpu.memory_space<vmem>>
      %dma_start3A_443 = tpu.memref_squeeze %dma_start3A_442 : memref<1x6656xi32, #tpu.memory_space<vmem>> -> memref<6656xi32, #tpu.memory_space<vmem>>
      %dma_start3A_444 = tpu.memref_slice %arg3[%multiple_of3A] : memref<425984xi32, #tpu.memory_space<hbm>> -> memref<6656xi32, #tpu.memory_space<hbm>>
      %dma_start3A_445 = arith.constant 0 : i32
      %dma_start3A_446 = tpu.memref_slice %arg5[%run_scoped3A, %dma_start3A_445] : memref<4x6656xi32, #tpu.memory_space<vmem>> -> memref<1x6656xi32, #tpu.memory_space<vmem>>
      %dma_start3A_447 = tpu.memref_squeeze %dma_start3A_446 : memref<1x6656xi32, #tpu.memory_space<vmem>> -> memref<6656xi32, #tpu.memory_space<vmem>>
      %dma_start3A_448 = tpu.memref_slice %arg3[%multiple_of3A] : memref<425984xi32, #tpu.memory_space<hbm>> -> memref<6656xi32, #tpu.memory_space<hbm>>
      tpu.enqueue_dma source(%dma_start3A_448 : memref<6656xi32, #tpu.memory_space<hbm>>) target(%dma_start3A_447 : memref<6656xi32, #tpu.memory_space<vmem>>) target_semaphore(%run_scoped3A_440 : memref<!tpu.dma_semaphore, #tpu.memory_space<semaphore_mem>>)
      %dma_wait3A = arith.constant 0 : i32
      %dma_wait3A_449 = tpu.memref_slice %arg5[%run_scoped3A, %dma_wait3A] : memref<4x6656xi32, #tpu.memory_space<vmem>> -> memref<1x6656xi32, #tpu.memory_space<vmem>>
      %dma_wait3A_450 = tpu.memref_squeeze %dma_wait3A_449 : memref<1x6656xi32, #tpu.memory_space<vmem>> -> memref<6656xi32, #tpu.memory_space<vmem>>
      %dma_wait3A_451 = tpu.memref_slice %arg3[%multiple_of3A] : memref<425984xi32, #tpu.memory_space<hbm>> -> memref<6656xi32, #tpu.memory_space<hbm>>
      %dma_wait3A_452 = arith.constant 0 : i32
      %dma_wait3A_453 = tpu.memref_slice %arg5[%run_scoped3A, %dma_wait3A_452] : memref<4x6656xi32, #tpu.memory_space<vmem>> -> memref<1x6656xi32, #tpu.memory_space<vmem>>
      %dma_wait3A_454 = tpu.memref_squeeze %dma_wait3A_453 : memref<1x6656xi32, #tpu.memory_space<vmem>> -> memref<6656xi32, #tpu.memory_space<vmem>>
      %dma_wait3A_455 = tpu.memref_slice %arg3[%multiple_of3A] : memref<425984xi32, #tpu.memory_space<hbm>> -> memref<6656xi32, #tpu.memory_space<hbm>>
      tpu.wait_dma2 semaphore(%run_scoped3A_440 : memref<!tpu.dma_semaphore, #tpu.memory_space<semaphore_mem>>) src(%dma_wait3A_455 : memref<6656xi32, #tpu.memory_space<hbm>>) dst(%dma_wait3A_454 : memref<6656xi32, #tpu.memory_space<vmem>>)
      tpu.yield
    }) : () -> ()
    %mul3A_77 = arith.constant 32768 : i32
    %mul3A_78 = arith.muli %select_n3A, %mul3A_77 : i32
    %add3A_79 = arith.constant 16384 : i32
    %add3A_80 = arith.addi %mul3A_78, %add3A_79 : i32
    %add3A_81 = arith.addi %add3A_80, %select_n3A_73 : i32
    %multiple_of3A_82 = tpu.assume_multiple %add3A_81, 8 : i32
    %run_scoped3A_83 = arith.constant 1 : i32
    "tpu.region"() ({
      %run_scoped3A_440 = tpu.sem_alloc : memref<!tpu.dma_semaphore, #tpu.memory_space<semaphore_mem>>
      %dma_start3A_441 = arith.constant 0 : i32
      %dma_start3A_442 = tpu.memref_slice %arg5[%run_scoped3A_83, %dma_start3A_441] : memref<4x6656xi32, #tpu.memory_space<vmem>> -> memref<1x6656xi32, #tpu.memory_space<vmem>>
      %dma_start3A_443 = tpu.memref_squeeze %dma_start3A_442 : memref<1x6656xi32, #tpu.memory_space<vmem>> -> memref<6656xi32, #tpu.memory_space<vmem>>
      %dma_start3A_444 = tpu.memref_slice %arg3[%multiple_of3A_82] : memref<425984xi32, #tpu.memory_space<hbm>> -> memref<6656xi32, #tpu.memory_space<hbm>>
      %dma_start3A_445 = arith.constant 0 : i32
      %dma_start3A_446 = tpu.memref_slice %arg5[%run_scoped3A_83, %dma_start3A_445] : memref<4x6656xi32, #tpu.memory_space<vmem>> -> memref<1x6656xi32, #tpu.memory_space<vmem>>
      %dma_start3A_447 = tpu.memref_squeeze %dma_start3A_446 : memref<1x6656xi32, #tpu.memory_space<vmem>> -> memref<6656xi32, #tpu.memory_space<vmem>>
      %dma_start3A_448 = tpu.memref_slice %arg3[%multiple_of3A_82] : memref<425984xi32, #tpu.memory_space<hbm>> -> memref<6656xi32, #tpu.memory_space<hbm>>
      tpu.enqueue_dma source(%dma_start3A_448 : memref<6656xi32, #tpu.memory_space<hbm>>) target(%dma_start3A_447 : memref<6656xi32, #tpu.memory_space<vmem>>) target_semaphore(%run_scoped3A_440 : memref<!tpu.dma_semaphore, #tpu.memory_space<semaphore_mem>>)
      %dma_wait3A = arith.constant 0 : i32
      %dma_wait3A_449 = tpu.memref_slice %arg5[%run_scoped3A_83, %dma_wait3A] : memref<4x6656xi32, #tpu.memory_space<vmem>> -> memref<1x6656xi32, #tpu.memory_space<vmem>>
      %dma_wait3A_450 = tpu.memref_squeeze %dma_wait3A_449 : memref<1x6656xi32, #tpu.memory_space<vmem>> -> memref<6656xi32, #tpu.memory_space<vmem>>
      %dma_wait3A_451 = tpu.memref_slice %arg3[%multiple_of3A_82] : memref<425984xi32, #tpu.memory_space<hbm>> -> memref<6656xi32, #tpu.memory_space<hbm>>
      %dma_wait3A_452 = arith.constant 0 : i32
      %dma_wait3A_453 = tpu.memref_slice %arg5[%run_scoped3A_83, %dma_wait3A_452] : memref<4x6656xi32, #tpu.memory_space<vmem>> -> memref<1x6656xi32, #tpu.memory_space<vmem>>
      %dma_wait3A_454 = tpu.memref_squeeze %dma_wait3A_453 : memref<1x6656xi32, #tpu.memory_space<vmem>> -> memref<6656xi32, #tpu.memory_space<vmem>>
      %dma_wait3A_455 = tpu.memref_slice %arg3[%multiple_of3A_82] : memref<425984xi32, #tpu.memory_space<hbm>> -> memref<6656xi32, #tpu.memory_space<hbm>>
      tpu.wait_dma2 semaphore(%run_scoped3A_440 : memref<!tpu.dma_semaphore, #tpu.memory_space<semaphore_mem>>) src(%dma_wait3A_455 : memref<6656xi32, #tpu.memory_space<hbm>>) dst(%dma_wait3A_454 : memref<6656xi32, #tpu.memory_space<vmem>>)
      tpu.yield
    }) : () -> ()
    %mul3A_84 = arith.constant 32768 : i32
    %mul3A_85 = arith.muli %select_n3A_46, %mul3A_84 : i32
    %multiple_of3A_86 = tpu.assume_multiple %mul3A_85, 8 : i32
    %run_scoped3A_87 = arith.constant 2 : i32
    "tpu.region"() ({
      %run_scoped3A_440 = tpu.sem_alloc : memref<!tpu.dma_semaphore, #tpu.memory_space<semaphore_mem>>
      %dma_start3A_441 = arith.constant 0 : i32
      %dma_start3A_442 = tpu.memref_slice %arg5[%run_scoped3A_87, %dma_start3A_441] : memref<4x6656xi32, #tpu.memory_space<vmem>> -> memref<1x6656xi32, #tpu.memory_space<vmem>>
      %dma_start3A_443 = tpu.memref_squeeze %dma_start3A_442 : memref<1x6656xi32, #tpu.memory_space<vmem>> -> memref<6656xi32, #tpu.memory_space<vmem>>
      %dma_start3A_444 = tpu.memref_slice %arg3[%multiple_of3A_86] : memref<425984xi32, #tpu.memory_space<hbm>> -> memref<6656xi32, #tpu.memory_space<hbm>>
      %dma_start3A_445 = arith.constant 0 : i32
      %dma_start3A_446 = tpu.memref_slice %arg5[%run_scoped3A_87, %dma_start3A_445] : memref<4x6656xi32, #tpu.memory_space<vmem>> -> memref<1x6656xi32, #tpu.memory_space<vmem>>
      %dma_start3A_447 = tpu.memref_squeeze %dma_start3A_446 : memref<1x6656xi32, #tpu.memory_space<vmem>> -> memref<6656xi32, #tpu.memory_space<vmem>>
      %dma_start3A_448 = tpu.memref_slice %arg3[%multiple_of3A_86] : memref<425984xi32, #tpu.memory_space<hbm>> -> memref<6656xi32, #tpu.memory_space<hbm>>
      tpu.enqueue_dma source(%dma_start3A_448 : memref<6656xi32, #tpu.memory_space<hbm>>) target(%dma_start3A_447 : memref<6656xi32, #tpu.memory_space<vmem>>) target_semaphore(%run_scoped3A_440 : memref<!tpu.dma_semaphore, #tpu.memory_space<semaphore_mem>>)
      %dma_wait3A = arith.constant 0 : i32
      %dma_wait3A_449 = tpu.memref_slice %arg5[%run_scoped3A_87, %dma_wait3A] : memref<4x6656xi32, #tpu.memory_space<vmem>> -> memref<1x6656xi32, #tpu.memory_space<vmem>>
      %dma_wait3A_450 = tpu.memref_squeeze %dma_wait3A_449 : memref<1x6656xi32, #tpu.memory_space<vmem>> -> memref<6656xi32, #tpu.memory_space<vmem>>
      %dma_wait3A_451 = tpu.memref_slice %arg3[%multiple_of3A_86] : memref<425984xi32, #tpu.memory_space<hbm>> -> memref<6656xi32, #tpu.memory_space<hbm>>
      %dma_wait3A_452 = arith.constant 0 : i32
      %dma_wait3A_453 = tpu.memref_slice %arg5[%run_scoped3A_87, %dma_wait3A_452] : memref<4x6656xi32, #tpu.memory_space<vmem>> -> memref<1x6656xi32, #tpu.memory_space<vmem>>
      %dma_wait3A_454 = tpu.memref_squeeze %dma_wait3A_453 : memref<1x6656xi32, #tpu.memory_space<vmem>> -> memref<6656xi32, #tpu.memory_space<vmem>>
      %dma_wait3A_455 = tpu.memref_slice %arg3[%multiple_of3A_86] : memref<425984xi32, #tpu.memory_space<hbm>> -> memref<6656xi32, #tpu.memory_space<hbm>>
      tpu.wait_dma2 semaphore(%run_scoped3A_440 : memref<!tpu.dma_semaphore, #tpu.memory_space<semaphore_mem>>) src(%dma_wait3A_455 : memref<6656xi32, #tpu.memory_space<hbm>>) dst(%dma_wait3A_454 : memref<6656xi32, #tpu.memory_space<vmem>>)
      tpu.yield
    }) : () -> ()
    %mul3A_88 = arith.constant 32768 : i32
    %mul3A_89 = arith.muli %select_n3A_46, %mul3A_88 : i32
    %add3A_90 = arith.constant 16384 : i32
    %add3A_91 = arith.addi %mul3A_89, %add3A_90 : i32
    %multiple_of3A_92 = tpu.assume_multiple %add3A_91, 8 : i32
    %run_scoped3A_93 = arith.constant 3 : i32
    "tpu.region"() ({
      %run_scoped3A_440 = tpu.sem_alloc : memref<!tpu.dma_semaphore, #tpu.memory_space<semaphore_mem>>
      %dma_start3A_441 = arith.constant 0 : i32
      %dma_start3A_442 = tpu.memref_slice %arg5[%run_scoped3A_93, %dma_start3A_441] : memref<4x6656xi32, #tpu.memory_space<vmem>> -> memref<1x6656xi32, #tpu.memory_space<vmem>>
      %dma_start3A_443 = tpu.memref_squeeze %dma_start3A_442 : memref<1x6656xi32, #tpu.memory_space<vmem>> -> memref<6656xi32, #tpu.memory_space<vmem>>
      %dma_start3A_444 = tpu.memref_slice %arg3[%multiple_of3A_92] : memref<425984xi32, #tpu.memory_space<hbm>> -> memref<6656xi32, #tpu.memory_space<hbm>>
      %dma_start3A_445 = arith.constant 0 : i32
      %dma_start3A_446 = tpu.memref_slice %arg5[%run_scoped3A_93, %dma_start3A_445] : memref<4x6656xi32, #tpu.memory_space<vmem>> -> memref<1x6656xi32, #tpu.memory_space<vmem>>
      %dma_start3A_447 = tpu.memref_squeeze %dma_start3A_446 : memref<1x6656xi32, #tpu.memory_space<vmem>> -> memref<6656xi32, #tpu.memory_space<vmem>>
      %dma_start3A_448 = tpu.memref_slice %arg3[%multiple_of3A_92] : memref<425984xi32, #tpu.memory_space<hbm>> -> memref<6656xi32, #tpu.memory_space<hbm>>
      tpu.enqueue_dma source(%dma_start3A_448 : memref<6656xi32, #tpu.memory_space<hbm>>) target(%dma_start3A_447 : memref<6656xi32, #tpu.memory_space<vmem>>) target_semaphore(%run_scoped3A_440 : memref<!tpu.dma_semaphore, #tpu.memory_space<semaphore_mem>>)
      %dma_wait3A = arith.constant 0 : i32
      %dma_wait3A_449 = tpu.memref_slice %arg5[%run_scoped3A_93, %dma_wait3A] : memref<4x6656xi32, #tpu.memory_space<vmem>> -> memref<1x6656xi32, #tpu.memory_space<vmem>>
      %dma_wait3A_450 = tpu.memref_squeeze %dma_wait3A_449 : memref<1x6656xi32, #tpu.memory_space<vmem>> -> memref<6656xi32, #tpu.memory_space<vmem>>
      %dma_wait3A_451 = tpu.memref_slice %arg3[%multiple_of3A_92] : memref<425984xi32, #tpu.memory_space<hbm>> -> memref<6656xi32, #tpu.memory_space<hbm>>
      %dma_wait3A_452 = arith.constant 0 : i32
      %dma_wait3A_453 = tpu.memref_slice %arg5[%run_scoped3A_93, %dma_wait3A_452] : memref<4x6656xi32, #tpu.memory_space<vmem>> -> memref<1x6656xi32, #tpu.memory_space<vmem>>
      %dma_wait3A_454 = tpu.memref_squeeze %dma_wait3A_453 : memref<1x6656xi32, #tpu.memory_space<vmem>> -> memref<6656xi32, #tpu.memory_space<vmem>>
      %dma_wait3A_455 = tpu.memref_slice %arg3[%multiple_of3A_92] : memref<425984xi32, #tpu.memory_space<hbm>> -> memref<6656xi32, #tpu.memory_space<hbm>>
      tpu.wait_dma2 semaphore(%run_scoped3A_440 : memref<!tpu.dma_semaphore, #tpu.memory_space<semaphore_mem>>) src(%dma_wait3A_455 : memref<6656xi32, #tpu.memory_space<hbm>>) dst(%dma_wait3A_454 : memref<6656xi32, #tpu.memory_space<vmem>>)
      tpu.yield
    }) : () -> ()
    %add3A_94 = arith.constant 0 : i32
    %add3A_95 = arith.addi %mul3A_2, %add3A_94 : i32
    %jit3A_96 = arith.constant 32768 : i32
    %div3A_97 = arith.divsi %add3A_95, %jit3A_96 : i32
    %sign3A_98 = arith.constant 0 : i32
    %sign3A_99 = arith.cmpi sgt, %add3A_95, %sign3A_98 : i32
    %sign3A_100 = arith.extui %sign3A_99 : i1 to i32
    %sign3A_101 = arith.constant 0 : i32
    %sign3A_102 = arith.cmpi slt, %add3A_95, %sign3A_101 : i32
    %sign3A_103 = arith.extui %sign3A_102 : i1 to i32
    %sign3A_104 = arith.subi %sign3A_100, %sign3A_103 : i32
    %sign3A_105 = arith.constant 0 : i32
    %sign3A_106 = arith.cmpi sgt, %jit3A_96, %sign3A_105 : i32
    %sign3A_107 = arith.extui %sign3A_106 : i1 to i32
    %sign3A_108 = arith.constant 0 : i32
    %sign3A_109 = arith.cmpi slt, %jit3A_96, %sign3A_108 : i32
    %sign3A_110 = arith.extui %sign3A_109 : i1 to i32
    %sign3A_111 = arith.subi %sign3A_107, %sign3A_110 : i32
    %ne3A_112 = arith.cmpi ne, %sign3A_104, %sign3A_111 : i32
    %rem3A_113 = arith.remsi %add3A_95, %jit3A_96 : i32
    %ne3A_114 = arith.constant 0 : i32
    %ne3A_115 = arith.cmpi ne, %rem3A_113, %ne3A_114 : i32
    %and3A_116 = arith.andi %ne3A_112, %ne3A_115 : i1
    %sub3A_117 = arith.constant 1 : i32
    %sub3A_118 = arith.subi %div3A_97, %sub3A_117 : i32
    %select_n3A_119 = arith.select %and3A_116, %sub3A_118, %div3A_97 : i32
    %mul3A_120 = arith.constant 32768 : i32
    %mul3A_121 = arith.muli %select_n3A_119, %mul3A_120 : i32
    %sub3A_122 = arith.subi %add3A_95, %mul3A_121 : i32
    %jit3A_123 = arith.constant 2 : i32
    %div3A_124 = arith.divsi %sub3A_122, %jit3A_123 : i32
    %sign3A_125 = arith.constant 0 : i32
    %sign3A_126 = arith.cmpi sgt, %sub3A_122, %sign3A_125 : i32
    %sign3A_127 = arith.extui %sign3A_126 : i1 to i32
    %sign3A_128 = arith.constant 0 : i32
    %sign3A_129 = arith.cmpi slt, %sub3A_122, %sign3A_128 : i32
    %sign3A_130 = arith.extui %sign3A_129 : i1 to i32
    %sign3A_131 = arith.subi %sign3A_127, %sign3A_130 : i32
    %sign3A_132 = arith.constant 0 : i32
    %sign3A_133 = arith.cmpi sgt, %jit3A_123, %sign3A_132 : i32
    %sign3A_134 = arith.extui %sign3A_133 : i1 to i32
    %sign3A_135 = arith.constant 0 : i32
    %sign3A_136 = arith.cmpi slt, %jit3A_123, %sign3A_135 : i32
    %sign3A_137 = arith.extui %sign3A_136 : i1 to i32
    %sign3A_138 = arith.subi %sign3A_134, %sign3A_137 : i32
    %ne3A_139 = arith.cmpi ne, %sign3A_131, %sign3A_138 : i32
    %rem3A_140 = arith.remsi %sub3A_122, %jit3A_123 : i32
    %ne3A_141 = arith.constant 0 : i32
    %ne3A_142 = arith.cmpi ne, %rem3A_140, %ne3A_141 : i32
    %and3A_143 = arith.andi %ne3A_139, %ne3A_142 : i1
    %sub3A_144 = arith.constant 1 : i32
    %sub3A_145 = arith.subi %div3A_124, %sub3A_144 : i32
    %select_n3A_146 = arith.select %and3A_143, %sub3A_145, %div3A_124 : i32
    %eq3A = arith.cmpi eq, %select_n3A_119, %select_n3A : i32
    %jit3A_147 = arith.constant 0 : i32
    %select_n3A_148 = arith.select %eq3A, %select_n3A_73, %jit3A_147 : i32
    %sub3A_149 = arith.subi %select_n3A_146, %select_n3A_148 : i32
    %multiple_of3A_150 = tpu.assume_multiple %sub3A_149, 8 : i32
    %eq3A_151 = arith.cmpi eq, %select_n3A_119, %select_n3A : i32
    %jit3A_152 = arith.constant 0 : i32
    %jit3A_153 = arith.constant 2 : i32
    %select_n3A_154 = arith.select %eq3A_151, %jit3A_152, %jit3A_153 : i32
    %add3A_155 = arith.constant 1 : i32
    %add3A_156 = arith.addi %select_n3A_154, %add3A_155 : i32
    %dma_start3A = arith.constant 0 : i32
    %dma_start3A_157 = arith.constant 0 : i32
    %dma_start3A_158 = arith.constant 0 : i32
    %dma_start3A_159 = arith.constant 0 : i32
    %dma_start3A_160 = tpu.memref_slice %arg6[%dma_start3A, %dma_start3A_157, %dma_start3A_158, %dma_start3A_159] : memref<4x2x64x128xf32, #tpu.memory_space<vmem>> -> memref<1x1x64x128xf32, #tpu.memory_space<vmem>>
    %dma_start3A_161 = tpu.memref_squeeze %dma_start3A_160 : memref<1x1x64x128xf32, #tpu.memory_space<vmem>> -> memref<64x128xf32, #tpu.memory_space<vmem>>
    %dma_start3A_162 = tpu.memref_slice %arg5[%select_n3A_154, %multiple_of3A_150] : memref<4x6656xi32, #tpu.memory_space<vmem>> -> memref<1x64xi32, #tpu.memory_space<vmem>>
    %dma_start3A_163 = tpu.memref_squeeze %dma_start3A_162 : memref<1x64xi32, #tpu.memory_space<vmem>> -> memref<64xi32, #tpu.memory_space<vmem>>
    %dma_start3A_164 = arith.constant 0 : i32
    %dma_start3A_165 = arith.constant 0 : i32
    %dma_start3A_166 = tpu.memref_slice %arg2[%dma_start3A_164, %dma_start3A_165] : memref<1000000x128xf32, #tpu.memory_space<hbm>> -> memref<1000000x128xf32, #tpu.memory_space<hbm>>
    tpu.enqueue_indirect_dma source(%dma_start3A_166 : memref<1000000x128xf32, #tpu.memory_space<hbm>>) target(%dma_start3A_161 : memref<64x128xf32, #tpu.memory_space<vmem>>) offsets(%dma_start3A_163 : memref<64xi32, #tpu.memory_space<vmem>>) semaphore(%arg7 : memref<!tpu.dma_semaphore, #tpu.memory_space<semaphore_mem>>)
    %dma_start3A_167 = arith.constant 0 : i32
    %dma_start3A_168 = arith.constant 1 : i32
    %dma_start3A_169 = arith.constant 0 : i32
    %dma_start3A_170 = arith.constant 0 : i32
    %dma_start3A_171 = tpu.memref_slice %arg6[%dma_start3A_167, %dma_start3A_168, %dma_start3A_169, %dma_start3A_170] : memref<4x2x64x128xf32, #tpu.memory_space<vmem>> -> memref<1x1x64x128xf32, #tpu.memory_space<vmem>>
    %dma_start3A_172 = tpu.memref_squeeze %dma_start3A_171 : memref<1x1x64x128xf32, #tpu.memory_space<vmem>> -> memref<64x128xf32, #tpu.memory_space<vmem>>
    %dma_start3A_173 = tpu.memref_slice %arg5[%add3A_156, %multiple_of3A_150] : memref<4x6656xi32, #tpu.memory_space<vmem>> -> memref<1x64xi32, #tpu.memory_space<vmem>>
    %dma_start3A_174 = tpu.memref_squeeze %dma_start3A_173 : memref<1x64xi32, #tpu.memory_space<vmem>> -> memref<64xi32, #tpu.memory_space<vmem>>
    %dma_start3A_175 = arith.constant 0 : i32
    %dma_start3A_176 = arith.constant 0 : i32
    %dma_start3A_177 = tpu.memref_slice %arg2[%dma_start3A_175, %dma_start3A_176] : memref<1000000x128xf32, #tpu.memory_space<hbm>> -> memref<1000000x128xf32, #tpu.memory_space<hbm>>
    tpu.enqueue_indirect_dma source(%dma_start3A_177 : memref<1000000x128xf32, #tpu.memory_space<hbm>>) target(%dma_start3A_172 : memref<64x128xf32, #tpu.memory_space<vmem>>) offsets(%dma_start3A_174 : memref<64xi32, #tpu.memory_space<vmem>>) semaphore(%arg7 : memref<!tpu.dma_semaphore, #tpu.memory_space<semaphore_mem>>)
    %add3A_178 = arith.constant 128 : i32
    %add3A_179 = arith.addi %mul3A_2, %add3A_178 : i32
    %jit3A_180 = arith.constant 32768 : i32
    %div3A_181 = arith.divsi %add3A_179, %jit3A_180 : i32
    %sign3A_182 = arith.constant 0 : i32
    %sign3A_183 = arith.cmpi sgt, %add3A_179, %sign3A_182 : i32
    %sign3A_184 = arith.extui %sign3A_183 : i1 to i32
    %sign3A_185 = arith.constant 0 : i32
    %sign3A_186 = arith.cmpi slt, %add3A_179, %sign3A_185 : i32
    %sign3A_187 = arith.extui %sign3A_186 : i1 to i32
    %sign3A_188 = arith.subi %sign3A_184, %sign3A_187 : i32
    %sign3A_189 = arith.constant 0 : i32
    %sign3A_190 = arith.cmpi sgt, %jit3A_180, %sign3A_189 : i32
    %sign3A_191 = arith.extui %sign3A_190 : i1 to i32
    %sign3A_192 = arith.constant 0 : i32
    %sign3A_193 = arith.cmpi slt, %jit3A_180, %sign3A_192 : i32
    %sign3A_194 = arith.extui %sign3A_193 : i1 to i32
    %sign3A_195 = arith.subi %sign3A_191, %sign3A_194 : i32
    %ne3A_196 = arith.cmpi ne, %sign3A_188, %sign3A_195 : i32
    %rem3A_197 = arith.remsi %add3A_179, %jit3A_180 : i32
    %ne3A_198 = arith.constant 0 : i32
    %ne3A_199 = arith.cmpi ne, %rem3A_197, %ne3A_198 : i32
    %and3A_200 = arith.andi %ne3A_196, %ne3A_199 : i1
    %sub3A_201 = arith.constant 1 : i32
    %sub3A_202 = arith.subi %div3A_181, %sub3A_201 : i32
    %select_n3A_203 = arith.select %and3A_200, %sub3A_202, %div3A_181 : i32
    %mul3A_204 = arith.constant 32768 : i32
    %mul3A_205 = arith.muli %select_n3A_203, %mul3A_204 : i32
    %sub3A_206 = arith.subi %add3A_179, %mul3A_205 : i32
    %jit3A_207 = arith.constant 2 : i32
    %div3A_208 = arith.divsi %sub3A_206, %jit3A_207 : i32
    %sign3A_209 = arith.constant 0 : i32
    %sign3A_210 = arith.cmpi sgt, %sub3A_206, %sign3A_209 : i32
    %sign3A_211 = arith.extui %sign3A_210 : i1 to i32
    %sign3A_212 = arith.constant 0 : i32
    %sign3A_213 = arith.cmpi slt, %sub3A_206, %sign3A_212 : i32
    %sign3A_214 = arith.extui %sign3A_213 : i1 to i32
    %sign3A_215 = arith.subi %sign3A_211, %sign3A_214 : i32
    %sign3A_216 = arith.constant 0 : i32
    %sign3A_217 = arith.cmpi sgt, %jit3A_207, %sign3A_216 : i32
    %sign3A_218 = arith.extui %sign3A_217 : i1 to i32
    %sign3A_219 = arith.constant 0 : i32
    %sign3A_220 = arith.cmpi slt, %jit3A_207, %sign3A_219 : i32
    %sign3A_221 = arith.extui %sign3A_220 : i1 to i32
    %sign3A_222 = arith.subi %sign3A_218, %sign3A_221 : i32
    %ne3A_223 = arith.cmpi ne, %sign3A_215, %sign3A_222 : i32
    %rem3A_224 = arith.remsi %sub3A_206, %jit3A_207 : i32
    %ne3A_225 = arith.constant 0 : i32
    %ne3A_226 = arith.cmpi ne, %rem3A_224, %ne3A_225 : i32
    %and3A_227 = arith.andi %ne3A_223, %ne3A_226 : i1
    %sub3A_228 = arith.constant 1 : i32
    %sub3A_229 = arith.subi %div3A_208, %sub3A_228 : i32
    %select_n3A_230 = arith.select %and3A_227, %sub3A_229, %div3A_208 : i32
    %eq3A_231 = arith.cmpi eq, %select_n3A_203, %select_n3A : i32
    %jit3A_232 = arith.constant 0 : i32
    %select_n3A_233 = arith.select %eq3A_231, %select_n3A_73, %jit3A_232 : i32
    %sub3A_234 = arith.subi %select_n3A_230, %select_n3A_233 : i32
    %multiple_of3A_235 = tpu.assume_multiple %sub3A_234, 8 : i32
    %eq3A_236 = arith.cmpi eq, %select_n3A_203, %select_n3A : i32
    %jit3A_237 = arith.constant 0 : i32
    %jit3A_238 = arith.constant 2 : i32
    %select_n3A_239 = arith.select %eq3A_236, %jit3A_237, %jit3A_238 : i32
    %add3A_240 = arith.constant 1 : i32
    %add3A_241 = arith.addi %select_n3A_239, %add3A_240 : i32
    %dma_start3A_242 = arith.constant 1 : i32
    %dma_start3A_243 = arith.constant 0 : i32
    %dma_start3A_244 = arith.constant 0 : i32
    %dma_start3A_245 = arith.constant 0 : i32
    %dma_start3A_246 = tpu.memref_slice %arg6[%dma_start3A_242, %dma_start3A_243, %dma_start3A_244, %dma_start3A_245] : memref<4x2x64x128xf32, #tpu.memory_space<vmem>> -> memref<1x1x64x128xf32, #tpu.memory_space<vmem>>
    %dma_start3A_247 = tpu.memref_squeeze %dma_start3A_246 : memref<1x1x64x128xf32, #tpu.memory_space<vmem>> -> memref<64x128xf32, #tpu.memory_space<vmem>>
    %dma_start3A_248 = tpu.memref_slice %arg5[%select_n3A_239, %multiple_of3A_235] : memref<4x6656xi32, #tpu.memory_space<vmem>> -> memref<1x64xi32, #tpu.memory_space<vmem>>
    %dma_start3A_249 = tpu.memref_squeeze %dma_start3A_248 : memref<1x64xi32, #tpu.memory_space<vmem>> -> memref<64xi32, #tpu.memory_space<vmem>>
    %dma_start3A_250 = arith.constant 0 : i32
    %dma_start3A_251 = arith.constant 0 : i32
    %dma_start3A_252 = tpu.memref_slice %arg2[%dma_start3A_250, %dma_start3A_251] : memref<1000000x128xf32, #tpu.memory_space<hbm>> -> memref<1000000x128xf32, #tpu.memory_space<hbm>>
    tpu.enqueue_indirect_dma source(%dma_start3A_252 : memref<1000000x128xf32, #tpu.memory_space<hbm>>) target(%dma_start3A_247 : memref<64x128xf32, #tpu.memory_space<vmem>>) offsets(%dma_start3A_249 : memref<64xi32, #tpu.memory_space<vmem>>) semaphore(%arg7 : memref<!tpu.dma_semaphore, #tpu.memory_space<semaphore_mem>>)
    %dma_start3A_253 = arith.constant 1 : i32
    %dma_start3A_254 = arith.constant 1 : i32
    %dma_start3A_255 = arith.constant 0 : i32
    %dma_start3A_256 = arith.constant 0 : i32
    %dma_start3A_257 = tpu.memref_slice %arg6[%dma_start3A_253, %dma_start3A_254, %dma_start3A_255, %dma_start3A_256] : memref<4x2x64x128xf32, #tpu.memory_space<vmem>> -> memref<1x1x64x128xf32, #tpu.memory_space<vmem>>
    %dma_start3A_258 = tpu.memref_squeeze %dma_start3A_257 : memref<1x1x64x128xf32, #tpu.memory_space<vmem>> -> memref<64x128xf32, #tpu.memory_space<vmem>>
    %dma_start3A_259 = tpu.memref_slice %arg5[%add3A_241, %multiple_of3A_235] : memref<4x6656xi32, #tpu.memory_space<vmem>> -> memref<1x64xi32, #tpu.memory_space<vmem>>
    %dma_start3A_260 = tpu.memref_squeeze %dma_start3A_259 : memref<1x64xi32, #tpu.memory_space<vmem>> -> memref<64xi32, #tpu.memory_space<vmem>>
    %dma_start3A_261 = arith.constant 0 : i32
    %dma_start3A_262 = arith.constant 0 : i32
    %dma_start3A_263 = tpu.memref_slice %arg2[%dma_start3A_261, %dma_start3A_262] : memref<1000000x128xf32, #tpu.memory_space<hbm>> -> memref<1000000x128xf32, #tpu.memory_space<hbm>>
    tpu.enqueue_indirect_dma source(%dma_start3A_263 : memref<1000000x128xf32, #tpu.memory_space<hbm>>) target(%dma_start3A_258 : memref<64x128xf32, #tpu.memory_space<vmem>>) offsets(%dma_start3A_260 : memref<64xi32, #tpu.memory_space<vmem>>) semaphore(%arg7 : memref<!tpu.dma_semaphore, #tpu.memory_space<semaphore_mem>>)
    %add3A_264 = arith.constant 256 : i32
    %add3A_265 = arith.addi %mul3A_2, %add3A_264 : i32
    %jit3A_266 = arith.constant 32768 : i32
    %div3A_267 = arith.divsi %add3A_265, %jit3A_266 : i32
    %sign3A_268 = arith.constant 0 : i32
    %sign3A_269 = arith.cmpi sgt, %add3A_265, %sign3A_268 : i32
    %sign3A_270 = arith.extui %sign3A_269 : i1 to i32
    %sign3A_271 = arith.constant 0 : i32
    %sign3A_272 = arith.cmpi slt, %add3A_265, %sign3A_271 : i32
    %sign3A_273 = arith.extui %sign3A_272 : i1 to i32
    %sign3A_274 = arith.subi %sign3A_270, %sign3A_273 : i32
    %sign3A_275 = arith.constant 0 : i32
    %sign3A_276 = arith.cmpi sgt, %jit3A_266, %sign3A_275 : i32
    %sign3A_277 = arith.extui %sign3A_276 : i1 to i32
    %sign3A_278 = arith.constant 0 : i32
    %sign3A_279 = arith.cmpi slt, %jit3A_266, %sign3A_278 : i32
    %sign3A_280 = arith.extui %sign3A_279 : i1 to i32
    %sign3A_281 = arith.subi %sign3A_277, %sign3A_280 : i32
    %ne3A_282 = arith.cmpi ne, %sign3A_274, %sign3A_281 : i32
    %rem3A_283 = arith.remsi %add3A_265, %jit3A_266 : i32
    %ne3A_284 = arith.constant 0 : i32
    %ne3A_285 = arith.cmpi ne, %rem3A_283, %ne3A_284 : i32
    %and3A_286 = arith.andi %ne3A_282, %ne3A_285 : i1
    %sub3A_287 = arith.constant 1 : i32
    %sub3A_288 = arith.subi %div3A_267, %sub3A_287 : i32
    %select_n3A_289 = arith.select %and3A_286, %sub3A_288, %div3A_267 : i32
    %mul3A_290 = arith.constant 32768 : i32
    %mul3A_291 = arith.muli %select_n3A_289, %mul3A_290 : i32
    %sub3A_292 = arith.subi %add3A_265, %mul3A_291 : i32
    %jit3A_293 = arith.constant 2 : i32
    %div3A_294 = arith.divsi %sub3A_292, %jit3A_293 : i32
    %sign3A_295 = arith.constant 0 : i32
    %sign3A_296 = arith.cmpi sgt, %sub3A_292, %sign3A_295 : i32
    %sign3A_297 = arith.extui %sign3A_296 : i1 to i32
    %sign3A_298 = arith.constant 0 : i32
    %sign3A_299 = arith.cmpi slt, %sub3A_292, %sign3A_298 : i32
    %sign3A_300 = arith.extui %sign3A_299 : i1 to i32
    %sign3A_301 = arith.subi %sign3A_297, %sign3A_300 : i32
    %sign3A_302 = arith.constant 0 : i32
    %sign3A_303 = arith.cmpi sgt, %jit3A_293, %sign3A_302 : i32
    %sign3A_304 = arith.extui %sign3A_303 : i1 to i32
    %sign3A_305 = arith.constant 0 : i32
    %sign3A_306 = arith.cmpi slt, %jit3A_293, %sign3A_305 : i32
    %sign3A_307 = arith.extui %sign3A_306 : i1 to i32
    %sign3A_308 = arith.subi %sign3A_304, %sign3A_307 : i32
    %ne3A_309 = arith.cmpi ne, %sign3A_301, %sign3A_308 : i32
    %rem3A_310 = arith.remsi %sub3A_292, %jit3A_293 : i32
    %ne3A_311 = arith.constant 0 : i32
    %ne3A_312 = arith.cmpi ne, %rem3A_310, %ne3A_311 : i32
    %and3A_313 = arith.andi %ne3A_309, %ne3A_312 : i1
    %sub3A_314 = arith.constant 1 : i32
    %sub3A_315 = arith.subi %div3A_294, %sub3A_314 : i32
    %select_n3A_316 = arith.select %and3A_313, %sub3A_315, %div3A_294 : i32
    %eq3A_317 = arith.cmpi eq, %select_n3A_289, %select_n3A : i32
    %jit3A_318 = arith.constant 0 : i32
    %select_n3A_319 = arith.select %eq3A_317, %select_n3A_73, %jit3A_318 : i32
    %sub3A_320 = arith.subi %select_n3A_316, %select_n3A_319 : i32
    %multiple_of3A_321 = tpu.assume_multiple %sub3A_320, 8 : i32
    %eq3A_322 = arith.cmpi eq, %select_n3A_289, %select_n3A : i32
    %jit3A_323 = arith.constant 0 : i32
    %jit3A_324 = arith.constant 2 : i32
    %select_n3A_325 = arith.select %eq3A_322, %jit3A_323, %jit3A_324 : i32
    %add3A_326 = arith.constant 1 : i32
    %add3A_327 = arith.addi %select_n3A_325, %add3A_326 : i32
    %dma_start3A_328 = arith.constant 2 : i32
    %dma_start3A_329 = arith.constant 0 : i32
    %dma_start3A_330 = arith.constant 0 : i32
    %dma_start3A_331 = arith.constant 0 : i32
    %dma_start3A_332 = tpu.memref_slice %arg6[%dma_start3A_328, %dma_start3A_329, %dma_start3A_330, %dma_start3A_331] : memref<4x2x64x128xf32, #tpu.memory_space<vmem>> -> memref<1x1x64x128xf32, #tpu.memory_space<vmem>>
    %dma_start3A_333 = tpu.memref_squeeze %dma_start3A_332 : memref<1x1x64x128xf32, #tpu.memory_space<vmem>> -> memref<64x128xf32, #tpu.memory_space<vmem>>
    %dma_start3A_334 = tpu.memref_slice %arg5[%select_n3A_325, %multiple_of3A_321] : memref<4x6656xi32, #tpu.memory_space<vmem>> -> memref<1x64xi32, #tpu.memory_space<vmem>>
    %dma_start3A_335 = tpu.memref_squeeze %dma_start3A_334 : memref<1x64xi32, #tpu.memory_space<vmem>> -> memref<64xi32, #tpu.memory_space<vmem>>
    %dma_start3A_336 = arith.constant 0 : i32
    %dma_start3A_337 = arith.constant 0 : i32
    %dma_start3A_338 = tpu.memref_slice %arg2[%dma_start3A_336, %dma_start3A_337] : memref<1000000x128xf32, #tpu.memory_space<hbm>> -> memref<1000000x128xf32, #tpu.memory_space<hbm>>
    tpu.enqueue_indirect_dma source(%dma_start3A_338 : memref<1000000x128xf32, #tpu.memory_space<hbm>>) target(%dma_start3A_333 : memref<64x128xf32, #tpu.memory_space<vmem>>) offsets(%dma_start3A_335 : memref<64xi32, #tpu.memory_space<vmem>>) semaphore(%arg7 : memref<!tpu.dma_semaphore, #tpu.memory_space<semaphore_mem>>)
    %dma_start3A_339 = arith.constant 2 : i32
    %dma_start3A_340 = arith.constant 1 : i32
    %dma_start3A_341 = arith.constant 0 : i32
    %dma_start3A_342 = arith.constant 0 : i32
    %dma_start3A_343 = tpu.memref_slice %arg6[%dma_start3A_339, %dma_start3A_340, %dma_start3A_341, %dma_start3A_342] : memref<4x2x64x128xf32, #tpu.memory_space<vmem>> -> memref<1x1x64x128xf32, #tpu.memory_space<vmem>>
    %dma_start3A_344 = tpu.memref_squeeze %dma_start3A_343 : memref<1x1x64x128xf32, #tpu.memory_space<vmem>> -> memref<64x128xf32, #tpu.memory_space<vmem>>
    %dma_start3A_345 = tpu.memref_slice %arg5[%add3A_327, %multiple_of3A_321] : memref<4x6656xi32, #tpu.memory_space<vmem>> -> memref<1x64xi32, #tpu.memory_space<vmem>>
    %dma_start3A_346 = tpu.memref_squeeze %dma_start3A_345 : memref<1x64xi32, #tpu.memory_space<vmem>> -> memref<64xi32, #tpu.memory_space<vmem>>
    %dma_start3A_347 = arith.constant 0 : i32
    %dma_start3A_348 = arith.constant 0 : i32
    %dma_start3A_349 = tpu.memref_slice %arg2[%dma_start3A_347, %dma_start3A_348] : memref<1000000x128xf32, #tpu.memory_space<hbm>> -> memref<1000000x128xf32, #tpu.memory_space<hbm>>
    tpu.enqueue_indirect_dma source(%dma_start3A_349 : memref<1000000x128xf32, #tpu.memory_space<hbm>>) target(%dma_start3A_344 : memref<64x128xf32, #tpu.memory_space<vmem>>) offsets(%dma_start3A_346 : memref<64xi32, #tpu.memory_space<vmem>>) semaphore(%arg7 : memref<!tpu.dma_semaphore, #tpu.memory_space<semaphore_mem>>)
    %add3A_350 = arith.constant 384 : i32
    %add3A_351 = arith.addi %mul3A_2, %add3A_350 : i32
    %jit3A_352 = arith.constant 32768 : i32
    %div3A_353 = arith.divsi %add3A_351, %jit3A_352 : i32
    %sign3A_354 = arith.constant 0 : i32
    %sign3A_355 = arith.cmpi sgt, %add3A_351, %sign3A_354 : i32
    %sign3A_356 = arith.extui %sign3A_355 : i1 to i32
    %sign3A_357 = arith.constant 0 : i32
    %sign3A_358 = arith.cmpi slt, %add3A_351, %sign3A_357 : i32
    %sign3A_359 = arith.extui %sign3A_358 : i1 to i32
    %sign3A_360 = arith.subi %sign3A_356, %sign3A_359 : i32
    %sign3A_361 = arith.constant 0 : i32
    %sign3A_362 = arith.cmpi sgt, %jit3A_352, %sign3A_361 : i32
    %sign3A_363 = arith.extui %sign3A_362 : i1 to i32
    %sign3A_364 = arith.constant 0 : i32
    %sign3A_365 = arith.cmpi slt, %jit3A_352, %sign3A_364 : i32
    %sign3A_366 = arith.extui %sign3A_365 : i1 to i32
    %sign3A_367 = arith.subi %sign3A_363, %sign3A_366 : i32
    %ne3A_368 = arith.cmpi ne, %sign3A_360, %sign3A_367 : i32
    %rem3A_369 = arith.remsi %add3A_351, %jit3A_352 : i32
    %ne3A_370 = arith.constant 0 : i32
    %ne3A_371 = arith.cmpi ne, %rem3A_369, %ne3A_370 : i32
    %and3A_372 = arith.andi %ne3A_368, %ne3A_371 : i1
    %sub3A_373 = arith.constant 1 : i32
    %sub3A_374 = arith.subi %div3A_353, %sub3A_373 : i32
    %select_n3A_375 = arith.select %and3A_372, %sub3A_374, %div3A_353 : i32
    %mul3A_376 = arith.constant 32768 : i32
    %mul3A_377 = arith.muli %select_n3A_375, %mul3A_376 : i32
    %sub3A_378 = arith.subi %add3A_351, %mul3A_377 : i32
    %jit3A_379 = arith.constant 2 : i32
    %div3A_380 = arith.divsi %sub3A_378, %jit3A_379 : i32
    %sign3A_381 = arith.constant 0 : i32
    %sign3A_382 = arith.cmpi sgt, %sub3A_378, %sign3A_381 : i32
    %sign3A_383 = arith.extui %sign3A_382 : i1 to i32
    %sign3A_384 = arith.constant 0 : i32
    %sign3A_385 = arith.cmpi slt, %sub3A_378, %sign3A_384 : i32
    %sign3A_386 = arith.extui %sign3A_385 : i1 to i32
    %sign3A_387 = arith.subi %sign3A_383, %sign3A_386 : i32
    %sign3A_388 = arith.constant 0 : i32
    %sign3A_389 = arith.cmpi sgt, %jit3A_379, %sign3A_388 : i32
    %sign3A_390 = arith.extui %sign3A_389 : i1 to i32
    %sign3A_391 = arith.constant 0 : i32
    %sign3A_392 = arith.cmpi slt, %jit3A_379, %sign3A_391 : i32
    %sign3A_393 = arith.extui %sign3A_392 : i1 to i32
    %sign3A_394 = arith.subi %sign3A_390, %sign3A_393 : i32
    %ne3A_395 = arith.cmpi ne, %sign3A_387, %sign3A_394 : i32
    %rem3A_396 = arith.remsi %sub3A_378, %jit3A_379 : i32
    %ne3A_397 = arith.constant 0 : i32
    %ne3A_398 = arith.cmpi ne, %rem3A_396, %ne3A_397 : i32
    %and3A_399 = arith.andi %ne3A_395, %ne3A_398 : i1
    %sub3A_400 = arith.constant 1 : i32
    %sub3A_401 = arith.subi %div3A_380, %sub3A_400 : i32
    %select_n3A_402 = arith.select %and3A_399, %sub3A_401, %div3A_380 : i32
    %eq3A_403 = arith.cmpi eq, %select_n3A_375, %select_n3A : i32
    %jit3A_404 = arith.constant 0 : i32
    %select_n3A_405 = arith.select %eq3A_403, %select_n3A_73, %jit3A_404 : i32
    %sub3A_406 = arith.subi %select_n3A_402, %select_n3A_405 : i32
    %multiple_of3A_407 = tpu.assume_multiple %sub3A_406, 8 : i32
    %eq3A_408 = arith.cmpi eq, %select_n3A_375, %select_n3A : i32
    %jit3A_409 = arith.constant 0 : i32
    %jit3A_410 = arith.constant 2 : i32
    %select_n3A_411 = arith.select %eq3A_408, %jit3A_409, %jit3A_410 : i32
    %add3A_412 = arith.constant 1 : i32
    %add3A_413 = arith.addi %select_n3A_411, %add3A_412 : i32
    %dma_start3A_414 = arith.constant 3 : i32
    %dma_start3A_415 = arith.constant 0 : i32
    %dma_start3A_416 = arith.constant 0 : i32
    %dma_start3A_417 = arith.constant 0 : i32
    %dma_start3A_418 = tpu.memref_slice %arg6[%dma_start3A_414, %dma_start3A_415, %dma_start3A_416, %dma_start3A_417] : memref<4x2x64x128xf32, #tpu.memory_space<vmem>> -> memref<1x1x64x128xf32, #tpu.memory_space<vmem>>
    %dma_start3A_419 = tpu.memref_squeeze %dma_start3A_418 : memref<1x1x64x128xf32, #tpu.memory_space<vmem>> -> memref<64x128xf32, #tpu.memory_space<vmem>>
    %dma_start3A_420 = tpu.memref_slice %arg5[%select_n3A_411, %multiple_of3A_407] : memref<4x6656xi32, #tpu.memory_space<vmem>> -> memref<1x64xi32, #tpu.memory_space<vmem>>
    %dma_start3A_421 = tpu.memref_squeeze %dma_start3A_420 : memref<1x64xi32, #tpu.memory_space<vmem>> -> memref<64xi32, #tpu.memory_space<vmem>>
    %dma_start3A_422 = arith.constant 0 : i32
    %dma_start3A_423 = arith.constant 0 : i32
    %dma_start3A_424 = tpu.memref_slice %arg2[%dma_start3A_422, %dma_start3A_423] : memref<1000000x128xf32, #tpu.memory_space<hbm>> -> memref<1000000x128xf32, #tpu.memory_space<hbm>>
    tpu.enqueue_indirect_dma source(%dma_start3A_424 : memref<1000000x128xf32, #tpu.memory_space<hbm>>) target(%dma_start3A_419 : memref<64x128xf32, #tpu.memory_space<vmem>>) offsets(%dma_start3A_421 : memref<64xi32, #tpu.memory_space<vmem>>) semaphore(%arg7 : memref<!tpu.dma_semaphore, #tpu.memory_space<semaphore_mem>>)
    %dma_start3A_425 = arith.constant 3 : i32
    %dma_start3A_426 = arith.constant 1 : i32
    %dma_start3A_427 = arith.constant 0 : i32
    %dma_start3A_428 = arith.constant 0 : i32
    %dma_start3A_429 = tpu.memref_slice %arg6[%dma_start3A_425, %dma_start3A_426, %dma_start3A_427, %dma_start3A_428] : memref<4x2x64x128xf32, #tpu.memory_space<vmem>> -> memref<1x1x64x128xf32, #tpu.memory_space<vmem>>
    %dma_start3A_430 = tpu.memref_squeeze %dma_start3A_429 : memref<1x1x64x128xf32, #tpu.memory_space<vmem>> -> memref<64x128xf32, #tpu.memory_space<vmem>>
    %dma_start3A_431 = tpu.memref_slice %arg5[%add3A_413, %multiple_of3A_407] : memref<4x6656xi32, #tpu.memory_space<vmem>> -> memref<1x64xi32, #tpu.memory_space<vmem>>
    %dma_start3A_432 = tpu.memref_squeeze %dma_start3A_431 : memref<1x64xi32, #tpu.memory_space<vmem>> -> memref<64xi32, #tpu.memory_space<vmem>>
    %dma_start3A_433 = arith.constant 0 : i32
    %dma_start3A_434 = arith.constant 0 : i32
    %dma_start3A_435 = tpu.memref_slice %arg2[%dma_start3A_433, %dma_start3A_434] : memref<1000000x128xf32, #tpu.memory_space<hbm>> -> memref<1000000x128xf32, #tpu.memory_space<hbm>>
    tpu.enqueue_indirect_dma source(%dma_start3A_435 : memref<1000000x128xf32, #tpu.memory_space<hbm>>) target(%dma_start3A_430 : memref<64x128xf32, #tpu.memory_space<vmem>>) offsets(%dma_start3A_432 : memref<64xi32, #tpu.memory_space<vmem>>) semaphore(%arg7 : memref<!tpu.dma_semaphore, #tpu.memory_space<semaphore_mem>>)
    %scan3A = arith.constant 0 : i32
    %scan3A_436 = arith.constant 26 : i32
    %scan3A_437 = arith.addi %scan3A, %scan3A_436 : i32
    %scan3A_438 = arith.constant 1 : i32
    scf.for %scan3A_440 = %scan3A to %scan3A_437 step %scan3A_438  : i32 {
      %mul3A_441 = arith.constant 4 : i32
      %mul3A_442 = arith.muli %scan3A_440, %mul3A_441 : i32
      %add3A_443 = arith.constant 0 : i32
      %add3A_444 = arith.addi %mul3A_442, %add3A_443 : i32
      %dma_wait3A = arith.constant 0 : i32
      %dma_wait3A_445 = arith.constant 0 : i32
      %dma_wait3A_446 = arith.constant 0 : i32
      %dma_wait3A_447 = arith.constant 0 : i32
      %dma_wait3A_448 = arith.constant 0 : i32
      %dma_wait3A_449 = tpu.memref_slice %arg6[%dma_wait3A_445, %dma_wait3A_446, %dma_wait3A_447, %dma_wait3A_448] : memref<4x2x64x128xf32, #tpu.memory_space<vmem>> -> memref<1x1x64x128xf32, #tpu.memory_space<vmem>>
      %dma_wait3A_450 = tpu.memref_squeeze %dma_wait3A_449 : memref<1x1x64x128xf32, #tpu.memory_space<vmem>> -> memref<64x128xf32, #tpu.memory_space<vmem>>
      %dma_wait3A_451 = arith.constant 0 : i32
      %dma_wait3A_452 = tpu.memref_slice %arg5[%dma_wait3A, %dma_wait3A_451] : memref<4x6656xi32, #tpu.memory_space<vmem>> -> memref<1x64xi32, #tpu.memory_space<vmem>>
      %dma_wait3A_453 = tpu.memref_squeeze %dma_wait3A_452 : memref<1x64xi32, #tpu.memory_space<vmem>> -> memref<64xi32, #tpu.memory_space<vmem>>
      %dma_wait3A_454 = arith.constant 0 : i32
      %dma_wait3A_455 = arith.constant 0 : i32
      %dma_wait3A_456 = tpu.memref_slice %arg2[%dma_wait3A_454, %dma_wait3A_455] : memref<1000000x128xf32, #tpu.memory_space<hbm>> -> memref<1000000x128xf32, #tpu.memory_space<hbm>>
      tpu.wait_indirect_dma semaphore(%arg7 : memref<!tpu.dma_semaphore, #tpu.memory_space<semaphore_mem>>) src(%dma_wait3A_456 : memref<1000000x128xf32, #tpu.memory_space<hbm>>) dst(%dma_wait3A_450 : memref<64x128xf32, #tpu.memory_space<vmem>>)
      %dma_wait3A_457 = arith.constant 0 : i32
      %dma_wait3A_458 = arith.constant 0 : i32
      %dma_wait3A_459 = arith.constant 1 : i32
      %dma_wait3A_460 = arith.constant 0 : i32
      %dma_wait3A_461 = arith.constant 0 : i32
      %dma_wait3A_462 = tpu.memref_slice %arg6[%dma_wait3A_458, %dma_wait3A_459, %dma_wait3A_460, %dma_wait3A_461] : memref<4x2x64x128xf32, #tpu.memory_space<vmem>> -> memref<1x1x64x128xf32, #tpu.memory_space<vmem>>
      %dma_wait3A_463 = tpu.memref_squeeze %dma_wait3A_462 : memref<1x1x64x128xf32, #tpu.memory_space<vmem>> -> memref<64x128xf32, #tpu.memory_space<vmem>>
      %dma_wait3A_464 = arith.constant 0 : i32
      %dma_wait3A_465 = tpu.memref_slice %arg5[%dma_wait3A_457, %dma_wait3A_464] : memref<4x6656xi32, #tpu.memory_space<vmem>> -> memref<1x64xi32, #tpu.memory_space<vmem>>
      %dma_wait3A_466 = tpu.memref_squeeze %dma_wait3A_465 : memref<1x64xi32, #tpu.memory_space<vmem>> -> memref<64xi32, #tpu.memory_space<vmem>>
      %dma_wait3A_467 = arith.constant 0 : i32
      %dma_wait3A_468 = arith.constant 0 : i32
      %dma_wait3A_469 = tpu.memref_slice %arg2[%dma_wait3A_467, %dma_wait3A_468] : memref<1000000x128xf32, #tpu.memory_space<hbm>> -> memref<1000000x128xf32, #tpu.memory_space<hbm>>
      tpu.wait_indirect_dma semaphore(%arg7 : memref<!tpu.dma_semaphore, #tpu.memory_space<semaphore_mem>>) src(%dma_wait3A_469 : memref<1000000x128xf32, #tpu.memory_space<hbm>>) dst(%dma_wait3A_463 : memref<64x128xf32, #tpu.memory_space<vmem>>)
      %jit3A_470 = arith.constant 2 : i32
      %div3A_471 = arith.divsi %mul3A_2, %jit3A_470 : i32
      %sign3A_472 = arith.constant 0 : i32
      %sign3A_473 = arith.cmpi sgt, %mul3A_2, %sign3A_472 : i32
      %sign3A_474 = arith.extui %sign3A_473 : i1 to i32
      %sign3A_475 = arith.constant 0 : i32
      %sign3A_476 = arith.cmpi slt, %mul3A_2, %sign3A_475 : i32
      %sign3A_477 = arith.extui %sign3A_476 : i1 to i32
      %sign3A_478 = arith.subi %sign3A_474, %sign3A_477 : i32
      %sign3A_479 = arith.constant 0 : i32
      %sign3A_480 = arith.cmpi sgt, %jit3A_470, %sign3A_479 : i32
      %sign3A_481 = arith.extui %sign3A_480 : i1 to i32
      %sign3A_482 = arith.constant 0 : i32
      %sign3A_483 = arith.cmpi slt, %jit3A_470, %sign3A_482 : i32
      %sign3A_484 = arith.extui %sign3A_483 : i1 to i32
      %sign3A_485 = arith.subi %sign3A_481, %sign3A_484 : i32
      %ne3A_486 = arith.cmpi ne, %sign3A_478, %sign3A_485 : i32
      %rem3A_487 = arith.remsi %mul3A_2, %jit3A_470 : i32
      %ne3A_488 = arith.constant 0 : i32
      %ne3A_489 = arith.cmpi ne, %rem3A_487, %ne3A_488 : i32
      %and3A_490 = arith.andi %ne3A_486, %ne3A_489 : i1
      %sub3A_491 = arith.constant 1 : i32
      %sub3A_492 = arith.subi %div3A_471, %sub3A_491 : i32
      %select_n3A_493 = arith.select %and3A_490, %sub3A_492, %div3A_471 : i32
      %mul3A_494 = arith.constant 64 : i32
      %mul3A_495 = arith.muli %add3A_444, %mul3A_494 : i32
      %add3A_496 = arith.addi %select_n3A_493, %mul3A_495 : i32
      %run_scoped3A_497 = arith.constant 0 : i32
      %run_scoped3A_498 = arith.constant 0 : i32
      "tpu.region"() ({
        %run_scoped3A_709 = tpu.sem_alloc : memref<!tpu.dma_semaphore, #tpu.memory_space<semaphore_mem>>
        %dma_start3A_710 = arith.constant 0 : i32
        %dma_start3A_711 = arith.constant 0 : i32
        %dma_start3A_712 = tpu.memref_slice %arg6[%run_scoped3A_497, %run_scoped3A_498, %dma_start3A_710, %dma_start3A_711] : memref<4x2x64x128xf32, #tpu.memory_space<vmem>> -> memref<1x1x64x128xf32, #tpu.memory_space<vmem>>
        %dma_start3A_713 = tpu.memref_squeeze %dma_start3A_712 : memref<1x1x64x128xf32, #tpu.memory_space<vmem>> -> memref<64x128xf32, #tpu.memory_space<vmem>>
        %dma_start3A_714 = arith.constant 0 : i32
        %dma_start3A_715 = arith.constant 0 : i32
        %dma_start3A_716 = tpu.memref_slice %dma_start3A_713[%dma_start3A_714, %dma_start3A_715] : memref<64x128xf32, #tpu.memory_space<vmem>> -> memref<64x64xf32, #tpu.memory_space<vmem>>
        %dma_start3A_717 = arith.constant 0 : i32
        %dma_start3A_718 = tpu.memref_slice %arg4[%add3A_496, %dma_start3A_717] : memref<212992x128xf32, #tpu.memory_space<hbm>> -> memref<64x64xf32, #tpu.memory_space<hbm>>
        %dma_start3A_719 = arith.constant 0 : i32
        %dma_start3A_720 = tpu.memref_slice %arg4[%add3A_496, %dma_start3A_719] : memref<212992x128xf32, #tpu.memory_space<hbm>> -> memref<64x64xf32, #tpu.memory_space<hbm>>
        %dma_start3A_721 = arith.constant 0 : i32
        %dma_start3A_722 = arith.constant 0 : i32
        %dma_start3A_723 = tpu.memref_slice %arg6[%run_scoped3A_497, %run_scoped3A_498, %dma_start3A_721, %dma_start3A_722] : memref<4x2x64x128xf32, #tpu.memory_space<vmem>> -> memref<1x1x64x128xf32, #tpu.memory_space<vmem>>
        %dma_start3A_724 = tpu.memref_squeeze %dma_start3A_723 : memref<1x1x64x128xf32, #tpu.memory_space<vmem>> -> memref<64x128xf32, #tpu.memory_space<vmem>>
        %dma_start3A_725 = arith.constant 0 : i32
        %dma_start3A_726 = arith.constant 0 : i32
        %dma_start3A_727 = tpu.memref_slice %dma_start3A_724[%dma_start3A_725, %dma_start3A_726] : memref<64x128xf32, #tpu.memory_space<vmem>> -> memref<64x64xf32, #tpu.memory_space<vmem>>
        tpu.enqueue_dma source(%dma_start3A_727 : memref<64x64xf32, #tpu.memory_space<vmem>>) target(%dma_start3A_720 : memref<64x64xf32, #tpu.memory_space<hbm>>) target_semaphore(%run_scoped3A_709 : memref<!tpu.dma_semaphore, #tpu.memory_space<semaphore_mem>>)
        %dma_wait3A_728 = arith.constant 0 : i32
        %dma_wait3A_729 = arith.constant 0 : i32
        %dma_wait3A_730 = tpu.memref_slice %arg6[%run_scoped3A_497, %run_scoped3A_498, %dma_wait3A_728, %dma_wait3A_729] : memref<4x2x64x128xf32, #tpu.memory_space<vmem>> -> memref<1x1x64x128xf32, #tpu.memory_space<vmem>>
        %dma_wait3A_731 = tpu.memref_squeeze %dma_wait3A_730 : memref<1x1x64x128xf32, #tpu.memory_space<vmem>> -> memref<64x128xf32, #tpu.memory_space<vmem>>
        %dma_wait3A_732 = arith.constant 0 : i32
        %dma_wait3A_733 = arith.constant 0 : i32
        %dma_wait3A_734 = tpu.memref_slice %dma_wait3A_731[%dma_wait3A_732, %dma_wait3A_733] : memref<64x128xf32, #tpu.memory_space<vmem>> -> memref<64x64xf32, #tpu.memory_space<vmem>>
        %dma_wait3A_735 = arith.constant 0 : i32
        %dma_wait3A_736 = tpu.memref_slice %arg4[%add3A_496, %dma_wait3A_735] : memref<212992x128xf32, #tpu.memory_space<hbm>> -> memref<64x64xf32, #tpu.memory_space<hbm>>
        %dma_wait3A_737 = arith.constant 0 : i32
        %dma_wait3A_738 = tpu.memref_slice %arg4[%add3A_496, %dma_wait3A_737] : memref<212992x128xf32, #tpu.memory_space<hbm>> -> memref<64x64xf32, #tpu.memory_space<hbm>>
        %dma_wait3A_739 = arith.constant 0 : i32
        %dma_wait3A_740 = arith.constant 0 : i32
        %dma_wait3A_741 = tpu.memref_slice %arg6[%run_scoped3A_497, %run_scoped3A_498, %dma_wait3A_739, %dma_wait3A_740] : memref<4x2x64x128xf32, #tpu.memory_space<vmem>> -> memref<1x1x64x128xf32, #tpu.memory_space<vmem>>
        %dma_wait3A_742 = tpu.memref_squeeze %dma_wait3A_741 : memref<1x1x64x128xf32, #tpu.memory_space<vmem>> -> memref<64x128xf32, #tpu.memory_space<vmem>>
        %dma_wait3A_743 = arith.constant 0 : i32
        %dma_wait3A_744 = arith.constant 0 : i32
        %dma_wait3A_745 = tpu.memref_slice %dma_wait3A_742[%dma_wait3A_743, %dma_wait3A_744] : memref<64x128xf32, #tpu.memory_space<vmem>> -> memref<64x64xf32, #tpu.memory_space<vmem>>
        tpu.wait_dma2 semaphore(%run_scoped3A_709 : memref<!tpu.dma_semaphore, #tpu.memory_space<semaphore_mem>>) src(%dma_wait3A_745 : memref<64x64xf32, #tpu.memory_space<vmem>>) dst(%dma_wait3A_738 : memref<64x64xf32, #tpu.memory_space<hbm>>)
        tpu.yield
      }) : () -> ()
      %run_scoped3A_499 = arith.constant 0 : i32
      %run_scoped3A_500 = arith.constant 1 : i32
      "tpu.region"() ({
        %run_scoped3A_709 = tpu.sem_alloc : memref<!tpu.dma_semaphore, #tpu.memory_space<semaphore_mem>>
        %dma_start3A_710 = arith.constant 0 : i32
        %dma_start3A_711 = arith.constant 0 : i32
        %dma_start3A_712 = tpu.memref_slice %arg6[%run_scoped3A_499, %run_scoped3A_500, %dma_start3A_710, %dma_start3A_711] : memref<4x2x64x128xf32, #tpu.memory_space<vmem>> -> memref<1x1x64x128xf32, #tpu.memory_space<vmem>>
        %dma_start3A_713 = tpu.memref_squeeze %dma_start3A_712 : memref<1x1x64x128xf32, #tpu.memory_space<vmem>> -> memref<64x128xf32, #tpu.memory_space<vmem>>
        %dma_start3A_714 = arith.constant 0 : i32
        %dma_start3A_715 = arith.constant 0 : i32
        %dma_start3A_716 = tpu.memref_slice %dma_start3A_713[%dma_start3A_714, %dma_start3A_715] : memref<64x128xf32, #tpu.memory_space<vmem>> -> memref<64x64xf32, #tpu.memory_space<vmem>>
        %dma_start3A_717 = arith.constant 64 : i32
        %dma_start3A_718 = tpu.memref_slice %arg4[%add3A_496, %dma_start3A_717] : memref<212992x128xf32, #tpu.memory_space<hbm>> -> memref<64x64xf32, #tpu.memory_space<hbm>>
        %dma_start3A_719 = arith.constant 64 : i32
        %dma_start3A_720 = tpu.memref_slice %arg4[%add3A_496, %dma_start3A_719] : memref<212992x128xf32, #tpu.memory_space<hbm>> -> memref<64x64xf32, #tpu.memory_space<hbm>>
        %dma_start3A_721 = arith.constant 0 : i32
        %dma_start3A_722 = arith.constant 0 : i32
        %dma_start3A_723 = tpu.memref_slice %arg6[%run_scoped3A_499, %run_scoped3A_500, %dma_start3A_721, %dma_start3A_722] : memref<4x2x64x128xf32, #tpu.memory_space<vmem>> -> memref<1x1x64x128xf32, #tpu.memory_space<vmem>>
        %dma_start3A_724 = tpu.memref_squeeze %dma_start3A_723 : memref<1x1x64x128xf32, #tpu.memory_space<vmem>> -> memref<64x128xf32, #tpu.memory_space<vmem>>
        %dma_start3A_725 = arith.constant 0 : i32
        %dma_start3A_726 = arith.constant 0 : i32
        %dma_start3A_727 = tpu.memref_slice %dma_start3A_724[%dma_start3A_725, %dma_start3A_726] : memref<64x128xf32, #tpu.memory_space<vmem>> -> memref<64x64xf32, #tpu.memory_space<vmem>>
        tpu.enqueue_dma source(%dma_start3A_727 : memref<64x64xf32, #tpu.memory_space<vmem>>) target(%dma_start3A_720 : memref<64x64xf32, #tpu.memory_space<hbm>>) target_semaphore(%run_scoped3A_709 : memref<!tpu.dma_semaphore, #tpu.memory_space<semaphore_mem>>)
        %dma_wait3A_728 = arith.constant 0 : i32
        %dma_wait3A_729 = arith.constant 0 : i32
        %dma_wait3A_730 = tpu.memref_slice %arg6[%run_scoped3A_499, %run_scoped3A_500, %dma_wait3A_728, %dma_wait3A_729] : memref<4x2x64x128xf32, #tpu.memory_space<vmem>> -> memref<1x1x64x128xf32, #tpu.memory_space<vmem>>
        %dma_wait3A_731 = tpu.memref_squeeze %dma_wait3A_730 : memref<1x1x64x128xf32, #tpu.memory_space<vmem>> -> memref<64x128xf32, #tpu.memory_space<vmem>>
        %dma_wait3A_732 = arith.constant 0 : i32
        %dma_wait3A_733 = arith.constant 0 : i32
        %dma_wait3A_734 = tpu.memref_slice %dma_wait3A_731[%dma_wait3A_732, %dma_wait3A_733] : memref<64x128xf32, #tpu.memory_space<vmem>> -> memref<64x64xf32, #tpu.memory_space<vmem>>
        %dma_wait3A_735 = arith.constant 64 : i32
        %dma_wait3A_736 = tpu.memref_slice %arg4[%add3A_496, %dma_wait3A_735] : memref<212992x128xf32, #tpu.memory_space<hbm>> -> memref<64x64xf32, #tpu.memory_space<hbm>>
        %dma_wait3A_737 = arith.constant 64 : i32
        %dma_wait3A_738 = tpu.memref_slice %arg4[%add3A_496, %dma_wait3A_737] : memref<212992x128xf32, #tpu.memory_space<hbm>> -> memref<64x64xf32, #tpu.memory_space<hbm>>
        %dma_wait3A_739 = arith.constant 0 : i32
        %dma_wait3A_740 = arith.constant 0 : i32
        %dma_wait3A_741 = tpu.memref_slice %arg6[%run_scoped3A_499, %run_scoped3A_500, %dma_wait3A_739, %dma_wait3A_740] : memref<4x2x64x128xf32, #tpu.memory_space<vmem>> -> memref<1x1x64x128xf32, #tpu.memory_space<vmem>>
        %dma_wait3A_742 = tpu.memref_squeeze %dma_wait3A_741 : memref<1x1x64x128xf32, #tpu.memory_space<vmem>> -> memref<64x128xf32, #tpu.memory_space<vmem>>
        %dma_wait3A_743 = arith.constant 0 : i32
        %dma_wait3A_744 = arith.constant 0 : i32
        %dma_wait3A_745 = tpu.memref_slice %dma_wait3A_742[%dma_wait3A_743, %dma_wait3A_744] : memref<64x128xf32, #tpu.memory_space<vmem>> -> memref<64x64xf32, #tpu.memory_space<vmem>>
        tpu.wait_dma2 semaphore(%run_scoped3A_709 : memref<!tpu.dma_semaphore, #tpu.memory_space<semaphore_mem>>) src(%dma_wait3A_745 : memref<64x64xf32, #tpu.memory_space<vmem>>) dst(%dma_wait3A_738 : memref<64x64xf32, #tpu.memory_space<hbm>>)
        tpu.yield
      }) : () -> ()
      %add3A_501 = arith.constant 1 : i32
      %add3A_502 = arith.addi %scan3A_440, %add3A_501 : i32
      %lt3A = arith.constant 26 : i32
      %lt3A_503 = arith.cmpi slt, %add3A_502, %lt3A : i32
      %convert_element_type3A = arith.extui %lt3A_503 : i1 to i32
      %cond3A = arith.constant 0 : i32
      %cond3A_504 = arith.cmpi ne, %convert_element_type3A, %cond3A : i32
      scf.if %cond3A_504 {
        %add3A_709 = arith.constant 4 : i32
        %add3A_710 = arith.addi %add3A_444, %add3A_709 : i32
        %mul3A_711 = arith.constant 128 : i32
        %mul3A_712 = arith.muli %add3A_710, %mul3A_711 : i32
        %add3A_713 = arith.addi %mul3A_2, %mul3A_712 : i32
        %jit3A_714 = arith.constant 32768 : i32
        %div3A_715 = arith.divsi %add3A_713, %jit3A_714 : i32
        %sign3A_716 = arith.constant 0 : i32
        %sign3A_717 = arith.cmpi sgt, %add3A_713, %sign3A_716 : i32
        %sign3A_718 = arith.extui %sign3A_717 : i1 to i32
        %sign3A_719 = arith.constant 0 : i32
        %sign3A_720 = arith.cmpi slt, %add3A_713, %sign3A_719 : i32
        %sign3A_721 = arith.extui %sign3A_720 : i1 to i32
        %sign3A_722 = arith.subi %sign3A_718, %sign3A_721 : i32
        %sign3A_723 = arith.constant 0 : i32
        %sign3A_724 = arith.cmpi sgt, %jit3A_714, %sign3A_723 : i32
        %sign3A_725 = arith.extui %sign3A_724 : i1 to i32
        %sign3A_726 = arith.constant 0 : i32
        %sign3A_727 = arith.cmpi slt, %jit3A_714, %sign3A_726 : i32
        %sign3A_728 = arith.extui %sign3A_727 : i1 to i32
        %sign3A_729 = arith.subi %sign3A_725, %sign3A_728 : i32
        %ne3A_730 = arith.cmpi ne, %sign3A_722, %sign3A_729 : i32
        %rem3A_731 = arith.remsi %add3A_713, %jit3A_714 : i32
        %ne3A_732 = arith.constant 0 : i32
        %ne3A_733 = arith.cmpi ne, %rem3A_731, %ne3A_732 : i32
        %and3A_734 = arith.andi %ne3A_730, %ne3A_733 : i1
        %sub3A_735 = arith.constant 1 : i32
        %sub3A_736 = arith.subi %div3A_715, %sub3A_735 : i32
        %select_n3A_737 = arith.select %and3A_734, %sub3A_736, %div3A_715 : i32
        %mul3A_738 = arith.constant 32768 : i32
        %mul3A_739 = arith.muli %select_n3A_737, %mul3A_738 : i32
        %sub3A_740 = arith.subi %add3A_713, %mul3A_739 : i32
        %jit3A_741 = arith.constant 2 : i32
        %div3A_742 = arith.divsi %sub3A_740, %jit3A_741 : i32
        %sign3A_743 = arith.constant 0 : i32
        %sign3A_744 = arith.cmpi sgt, %sub3A_740, %sign3A_743 : i32
        %sign3A_745 = arith.extui %sign3A_744 : i1 to i32
        %sign3A_746 = arith.constant 0 : i32
        %sign3A_747 = arith.cmpi slt, %sub3A_740, %sign3A_746 : i32
        %sign3A_748 = arith.extui %sign3A_747 : i1 to i32
        %sign3A_749 = arith.subi %sign3A_745, %sign3A_748 : i32
        %sign3A_750 = arith.constant 0 : i32
        %sign3A_751 = arith.cmpi sgt, %jit3A_741, %sign3A_750 : i32
        %sign3A_752 = arith.extui %sign3A_751 : i1 to i32
        %sign3A_753 = arith.constant 0 : i32
        %sign3A_754 = arith.cmpi slt, %jit3A_741, %sign3A_753 : i32
        %sign3A_755 = arith.extui %sign3A_754 : i1 to i32
        %sign3A_756 = arith.subi %sign3A_752, %sign3A_755 : i32
        %ne3A_757 = arith.cmpi ne, %sign3A_749, %sign3A_756 : i32
        %rem3A_758 = arith.remsi %sub3A_740, %jit3A_741 : i32
        %ne3A_759 = arith.constant 0 : i32
        %ne3A_760 = arith.cmpi ne, %rem3A_758, %ne3A_759 : i32
        %and3A_761 = arith.andi %ne3A_757, %ne3A_760 : i1
        %sub3A_762 = arith.constant 1 : i32
        %sub3A_763 = arith.subi %div3A_742, %sub3A_762 : i32
        %select_n3A_764 = arith.select %and3A_761, %sub3A_763, %div3A_742 : i32
        %eq3A_765 = arith.cmpi eq, %select_n3A_737, %select_n3A : i32
        %jit3A_766 = arith.constant 0 : i32
        %select_n3A_767 = arith.select %eq3A_765, %select_n3A_73, %jit3A_766 : i32
        %sub3A_768 = arith.subi %select_n3A_764, %select_n3A_767 : i32
        %multiple_of3A_769 = tpu.assume_multiple %sub3A_768, 8 : i32
        %eq3A_770 = arith.cmpi eq, %select_n3A_737, %select_n3A : i32
        %jit3A_771 = arith.constant 0 : i32
        %jit3A_772 = arith.constant 2 : i32
        %select_n3A_773 = arith.select %eq3A_770, %jit3A_771, %jit3A_772 : i32
        %add3A_774 = arith.constant 1 : i32
        %add3A_775 = arith.addi %select_n3A_773, %add3A_774 : i32
        %dma_start3A_776 = arith.constant 0 : i32
        %dma_start3A_777 = arith.constant 0 : i32
        %dma_start3A_778 = arith.constant 0 : i32
        %dma_start3A_779 = arith.constant 0 : i32
        %dma_start3A_780 = tpu.memref_slice %arg6[%dma_start3A_776, %dma_start3A_777, %dma_start3A_778, %dma_start3A_779] : memref<4x2x64x128xf32, #tpu.memory_space<vmem>> -> memref<1x1x64x128xf32, #tpu.memory_space<vmem>>
        %dma_start3A_781 = tpu.memref_squeeze %dma_start3A_780 : memref<1x1x64x128xf32, #tpu.memory_space<vmem>> -> memref<64x128xf32, #tpu.memory_space<vmem>>
        %dma_start3A_782 = tpu.memref_slice %arg5[%select_n3A_773, %multiple_of3A_769] : memref<4x6656xi32, #tpu.memory_space<vmem>> -> memref<1x64xi32, #tpu.memory_space<vmem>>
        %dma_start3A_783 = tpu.memref_squeeze %dma_start3A_782 : memref<1x64xi32, #tpu.memory_space<vmem>> -> memref<64xi32, #tpu.memory_space<vmem>>
        %dma_start3A_784 = arith.constant 0 : i32
        %dma_start3A_785 = arith.constant 0 : i32
        %dma_start3A_786 = tpu.memref_slice %arg2[%dma_start3A_784, %dma_start3A_785] : memref<1000000x128xf32, #tpu.memory_space<hbm>> -> memref<1000000x128xf32, #tpu.memory_space<hbm>>
        tpu.enqueue_indirect_dma source(%dma_start3A_786 : memref<1000000x128xf32, #tpu.memory_space<hbm>>) target(%dma_start3A_781 : memref<64x128xf32, #tpu.memory_space<vmem>>) offsets(%dma_start3A_783 : memref<64xi32, #tpu.memory_space<vmem>>) semaphore(%arg7 : memref<!tpu.dma_semaphore, #tpu.memory_space<semaphore_mem>>)
        %dma_start3A_787 = arith.constant 0 : i32
        %dma_start3A_788 = arith.constant 1 : i32
        %dma_start3A_789 = arith.constant 0 : i32
        %dma_start3A_790 = arith.constant 0 : i32
        %dma_start3A_791 = tpu.memref_slice %arg6[%dma_start3A_787, %dma_start3A_788, %dma_start3A_789, %dma_start3A_790] : memref<4x2x64x128xf32, #tpu.memory_space<vmem>> -> memref<1x1x64x128xf32, #tpu.memory_space<vmem>>
        %dma_start3A_792 = tpu.memref_squeeze %dma_start3A_791 : memref<1x1x64x128xf32, #tpu.memory_space<vmem>> -> memref<64x128xf32, #tpu.memory_space<vmem>>
        %dma_start3A_793 = tpu.memref_slice %arg5[%add3A_775, %multiple_of3A_769] : memref<4x6656xi32, #tpu.memory_space<vmem>> -> memref<1x64xi32, #tpu.memory_space<vmem>>
        %dma_start3A_794 = tpu.memref_squeeze %dma_start3A_793 : memref<1x64xi32, #tpu.memory_space<vmem>> -> memref<64xi32, #tpu.memory_space<vmem>>
        %dma_start3A_795 = arith.constant 0 : i32
        %dma_start3A_796 = arith.constant 0 : i32
        %dma_start3A_797 = tpu.memref_slice %arg2[%dma_start3A_795, %dma_start3A_796] : memref<1000000x128xf32, #tpu.memory_space<hbm>> -> memref<1000000x128xf32, #tpu.memory_space<hbm>>
        tpu.enqueue_indirect_dma source(%dma_start3A_797 : memref<1000000x128xf32, #tpu.memory_space<hbm>>) target(%dma_start3A_792 : memref<64x128xf32, #tpu.memory_space<vmem>>) offsets(%dma_start3A_794 : memref<64xi32, #tpu.memory_space<vmem>>) semaphore(%arg7 : memref<!tpu.dma_semaphore, #tpu.memory_space<semaphore_mem>>)
      } else {
      }
      %mul3A_505 = arith.constant 4 : i32
      %mul3A_506 = arith.muli %scan3A_440, %mul3A_505 : i32
      %add3A_507 = arith.constant 1 : i32
      %add3A_508 = arith.addi %mul3A_506, %add3A_507 : i32
      %dma_wait3A_509 = arith.constant 0 : i32
      %dma_wait3A_510 = arith.constant 1 : i32
      %dma_wait3A_511 = arith.constant 0 : i32
      %dma_wait3A_512 = arith.constant 0 : i32
      %dma_wait3A_513 = arith.constant 0 : i32
      %dma_wait3A_514 = tpu.memref_slice %arg6[%dma_wait3A_510, %dma_wait3A_511, %dma_wait3A_512, %dma_wait3A_513] : memref<4x2x64x128xf32, #tpu.memory_space<vmem>> -> memref<1x1x64x128xf32, #tpu.memory_space<vmem>>
      %dma_wait3A_515 = tpu.memref_squeeze %dma_wait3A_514 : memref<1x1x64x128xf32, #tpu.memory_space<vmem>> -> memref<64x128xf32, #tpu.memory_space<vmem>>
      %dma_wait3A_516 = arith.constant 0 : i32
      %dma_wait3A_517 = tpu.memref_slice %arg5[%dma_wait3A_509, %dma_wait3A_516] : memref<4x6656xi32, #tpu.memory_space<vmem>> -> memref<1x64xi32, #tpu.memory_space<vmem>>
      %dma_wait3A_518 = tpu.memref_squeeze %dma_wait3A_517 : memref<1x64xi32, #tpu.memory_space<vmem>> -> memref<64xi32, #tpu.memory_space<vmem>>
      %dma_wait3A_519 = arith.constant 0 : i32
      %dma_wait3A_520 = arith.constant 0 : i32
      %dma_wait3A_521 = tpu.memref_slice %arg2[%dma_wait3A_519, %dma_wait3A_520] : memref<1000000x128xf32, #tpu.memory_space<hbm>> -> memref<1000000x128xf32, #tpu.memory_space<hbm>>
      tpu.wait_indirect_dma semaphore(%arg7 : memref<!tpu.dma_semaphore, #tpu.memory_space<semaphore_mem>>) src(%dma_wait3A_521 : memref<1000000x128xf32, #tpu.memory_space<hbm>>) dst(%dma_wait3A_515 : memref<64x128xf32, #tpu.memory_space<vmem>>)
      %dma_wait3A_522 = arith.constant 0 : i32
      %dma_wait3A_523 = arith.constant 1 : i32
      %dma_wait3A_524 = arith.constant 1 : i32
      %dma_wait3A_525 = arith.constant 0 : i32
      %dma_wait3A_526 = arith.constant 0 : i32
      %dma_wait3A_527 = tpu.memref_slice %arg6[%dma_wait3A_523, %dma_wait3A_524, %dma_wait3A_525, %dma_wait3A_526] : memref<4x2x64x128xf32, #tpu.memory_space<vmem>> -> memref<1x1x64x128xf32, #tpu.memory_space<vmem>>
      %dma_wait3A_528 = tpu.memref_squeeze %dma_wait3A_527 : memref<1x1x64x128xf32, #tpu.memory_space<vmem>> -> memref<64x128xf32, #tpu.memory_space<vmem>>
      %dma_wait3A_529 = arith.constant 0 : i32
      %dma_wait3A_530 = tpu.memref_slice %arg5[%dma_wait3A_522, %dma_wait3A_529] : memref<4x6656xi32, #tpu.memory_space<vmem>> -> memref<1x64xi32, #tpu.memory_space<vmem>>
      %dma_wait3A_531 = tpu.memref_squeeze %dma_wait3A_530 : memref<1x64xi32, #tpu.memory_space<vmem>> -> memref<64xi32, #tpu.memory_space<vmem>>
      %dma_wait3A_532 = arith.constant 0 : i32
      %dma_wait3A_533 = arith.constant 0 : i32
      %dma_wait3A_534 = tpu.memref_slice %arg2[%dma_wait3A_532, %dma_wait3A_533] : memref<1000000x128xf32, #tpu.memory_space<hbm>> -> memref<1000000x128xf32, #tpu.memory_space<hbm>>
      tpu.wait_indirect_dma semaphore(%arg7 : memref<!tpu.dma_semaphore, #tpu.memory_space<semaphore_mem>>) src(%dma_wait3A_534 : memref<1000000x128xf32, #tpu.memory_space<hbm>>) dst(%dma_wait3A_528 : memref<64x128xf32, #tpu.memory_space<vmem>>)
      %jit3A_535 = arith.constant 2 : i32
      %div3A_536 = arith.divsi %mul3A_2, %jit3A_535 : i32
      %sign3A_537 = arith.constant 0 : i32
      %sign3A_538 = arith.cmpi sgt, %mul3A_2, %sign3A_537 : i32
      %sign3A_539 = arith.extui %sign3A_538 : i1 to i32
      %sign3A_540 = arith.constant 0 : i32
      %sign3A_541 = arith.cmpi slt, %mul3A_2, %sign3A_540 : i32
      %sign3A_542 = arith.extui %sign3A_541 : i1 to i32
      %sign3A_543 = arith.subi %sign3A_539, %sign3A_542 : i32
      %sign3A_544 = arith.constant 0 : i32
      %sign3A_545 = arith.cmpi sgt, %jit3A_535, %sign3A_544 : i32
      %sign3A_546 = arith.extui %sign3A_545 : i1 to i32
      %sign3A_547 = arith.constant 0 : i32
      %sign3A_548 = arith.cmpi slt, %jit3A_535, %sign3A_547 : i32
      %sign3A_549 = arith.extui %sign3A_548 : i1 to i32
      %sign3A_550 = arith.subi %sign3A_546, %sign3A_549 : i32
      %ne3A_551 = arith.cmpi ne, %sign3A_543, %sign3A_550 : i32
      %rem3A_552 = arith.remsi %mul3A_2, %jit3A_535 : i32
      %ne3A_553 = arith.constant 0 : i32
      %ne3A_554 = arith.cmpi ne, %rem3A_552, %ne3A_553 : i32
      %and3A_555 = arith.andi %ne3A_551, %ne3A_554 : i1
      %sub3A_556 = arith.constant 1 : i32
      %sub3A_557 = arith.subi %div3A_536, %sub3A_556 : i32
      %select_n3A_558 = arith.select %and3A_555, %sub3A_557, %div3A_536 : i32
      %mul3A_559 = arith.constant 64 : i32
      %mul3A_560 = arith.muli %add3A_508, %mul3A_559 : i32
      %add3A_561 = arith.addi %select_n3A_558, %mul3A_560 : i32
      %run_scoped3A_562 = arith.constant 1 : i32
      %run_scoped3A_563 = arith.constant 0 : i32
      "tpu.region"() ({
        %run_scoped3A_709 = tpu.sem_alloc : memref<!tpu.dma_semaphore, #tpu.memory_space<semaphore_mem>>
        %dma_start3A_710 = arith.constant 0 : i32
        %dma_start3A_711 = arith.constant 0 : i32
        %dma_start3A_712 = tpu.memref_slice %arg6[%run_scoped3A_562, %run_scoped3A_563, %dma_start3A_710, %dma_start3A_711] : memref<4x2x64x128xf32, #tpu.memory_space<vmem>> -> memref<1x1x64x128xf32, #tpu.memory_space<vmem>>
        %dma_start3A_713 = tpu.memref_squeeze %dma_start3A_712 : memref<1x1x64x128xf32, #tpu.memory_space<vmem>> -> memref<64x128xf32, #tpu.memory_space<vmem>>
        %dma_start3A_714 = arith.constant 0 : i32
        %dma_start3A_715 = arith.constant 0 : i32
        %dma_start3A_716 = tpu.memref_slice %dma_start3A_713[%dma_start3A_714, %dma_start3A_715] : memref<64x128xf32, #tpu.memory_space<vmem>> -> memref<64x64xf32, #tpu.memory_space<vmem>>
        %dma_start3A_717 = arith.constant 0 : i32
        %dma_start3A_718 = tpu.memref_slice %arg4[%add3A_561, %dma_start3A_717] : memref<212992x128xf32, #tpu.memory_space<hbm>> -> memref<64x64xf32, #tpu.memory_space<hbm>>
        %dma_start3A_719 = arith.constant 0 : i32
        %dma_start3A_720 = tpu.memref_slice %arg4[%add3A_561, %dma_start3A_719] : memref<212992x128xf32, #tpu.memory_space<hbm>> -> memref<64x64xf32, #tpu.memory_space<hbm>>
        %dma_start3A_721 = arith.constant 0 : i32
        %dma_start3A_722 = arith.constant 0 : i32
        %dma_start3A_723 = tpu.memref_slice %arg6[%run_scoped3A_562, %run_scoped3A_563, %dma_start3A_721, %dma_start3A_722] : memref<4x2x64x128xf32, #tpu.memory_space<vmem>> -> memref<1x1x64x128xf32, #tpu.memory_space<vmem>>
        %dma_start3A_724 = tpu.memref_squeeze %dma_start3A_723 : memref<1x1x64x128xf32, #tpu.memory_space<vmem>> -> memref<64x128xf32, #tpu.memory_space<vmem>>
        %dma_start3A_725 = arith.constant 0 : i32
        %dma_start3A_726 = arith.constant 0 : i32
        %dma_start3A_727 = tpu.memref_slice %dma_start3A_724[%dma_start3A_725, %dma_start3A_726] : memref<64x128xf32, #tpu.memory_space<vmem>> -> memref<64x64xf32, #tpu.memory_space<vmem>>
        tpu.enqueue_dma source(%dma_start3A_727 : memref<64x64xf32, #tpu.memory_space<vmem>>) target(%dma_start3A_720 : memref<64x64xf32, #tpu.memory_space<hbm>>) target_semaphore(%run_scoped3A_709 : memref<!tpu.dma_semaphore, #tpu.memory_space<semaphore_mem>>)
        %dma_wait3A_728 = arith.constant 0 : i32
        %dma_wait3A_729 = arith.constant 0 : i32
        %dma_wait3A_730 = tpu.memref_slice %arg6[%run_scoped3A_562, %run_scoped3A_563, %dma_wait3A_728, %dma_wait3A_729] : memref<4x2x64x128xf32, #tpu.memory_space<vmem>> -> memref<1x1x64x128xf32, #tpu.memory_space<vmem>>
        %dma_wait3A_731 = tpu.memref_squeeze %dma_wait3A_730 : memref<1x1x64x128xf32, #tpu.memory_space<vmem>> -> memref<64x128xf32, #tpu.memory_space<vmem>>
        %dma_wait3A_732 = arith.constant 0 : i32
        %dma_wait3A_733 = arith.constant 0 : i32
        %dma_wait3A_734 = tpu.memref_slice %dma_wait3A_731[%dma_wait3A_732, %dma_wait3A_733] : memref<64x128xf32, #tpu.memory_space<vmem>> -> memref<64x64xf32, #tpu.memory_space<vmem>>
        %dma_wait3A_735 = arith.constant 0 : i32
        %dma_wait3A_736 = tpu.memref_slice %arg4[%add3A_561, %dma_wait3A_735] : memref<212992x128xf32, #tpu.memory_space<hbm>> -> memref<64x64xf32, #tpu.memory_space<hbm>>
        %dma_wait3A_737 = arith.constant 0 : i32
        %dma_wait3A_738 = tpu.memref_slice %arg4[%add3A_561, %dma_wait3A_737] : memref<212992x128xf32, #tpu.memory_space<hbm>> -> memref<64x64xf32, #tpu.memory_space<hbm>>
        %dma_wait3A_739 = arith.constant 0 : i32
        %dma_wait3A_740 = arith.constant 0 : i32
        %dma_wait3A_741 = tpu.memref_slice %arg6[%run_scoped3A_562, %run_scoped3A_563, %dma_wait3A_739, %dma_wait3A_740] : memref<4x2x64x128xf32, #tpu.memory_space<vmem>> -> memref<1x1x64x128xf32, #tpu.memory_space<vmem>>
        %dma_wait3A_742 = tpu.memref_squeeze %dma_wait3A_741 : memref<1x1x64x128xf32, #tpu.memory_space<vmem>> -> memref<64x128xf32, #tpu.memory_space<vmem>>
        %dma_wait3A_743 = arith.constant 0 : i32
        %dma_wait3A_744 = arith.constant 0 : i32
        %dma_wait3A_745 = tpu.memref_slice %dma_wait3A_742[%dma_wait3A_743, %dma_wait3A_744] : memref<64x128xf32, #tpu.memory_space<vmem>> -> memref<64x64xf32, #tpu.memory_space<vmem>>
        tpu.wait_dma2 semaphore(%run_scoped3A_709 : memref<!tpu.dma_semaphore, #tpu.memory_space<semaphore_mem>>) src(%dma_wait3A_745 : memref<64x64xf32, #tpu.memory_space<vmem>>) dst(%dma_wait3A_738 : memref<64x64xf32, #tpu.memory_space<hbm>>)
        tpu.yield
      }) : () -> ()
      %run_scoped3A_564 = arith.constant 1 : i32
      %run_scoped3A_565 = arith.constant 1 : i32
      "tpu.region"() ({
        %run_scoped3A_709 = tpu.sem_alloc : memref<!tpu.dma_semaphore, #tpu.memory_space<semaphore_mem>>
        %dma_start3A_710 = arith.constant 0 : i32
        %dma_start3A_711 = arith.constant 0 : i32
        %dma_start3A_712 = tpu.memref_slice %arg6[%run_scoped3A_564, %run_scoped3A_565, %dma_start3A_710, %dma_start3A_711] : memref<4x2x64x128xf32, #tpu.memory_space<vmem>> -> memref<1x1x64x128xf32, #tpu.memory_space<vmem>>
        %dma_start3A_713 = tpu.memref_squeeze %dma_start3A_712 : memref<1x1x64x128xf32, #tpu.memory_space<vmem>> -> memref<64x128xf32, #tpu.memory_space<vmem>>
        %dma_start3A_714 = arith.constant 0 : i32
        %dma_start3A_715 = arith.constant 0 : i32
        %dma_start3A_716 = tpu.memref_slice %dma_start3A_713[%dma_start3A_714, %dma_start3A_715] : memref<64x128xf32, #tpu.memory_space<vmem>> -> memref<64x64xf32, #tpu.memory_space<vmem>>
        %dma_start3A_717 = arith.constant 64 : i32
        %dma_start3A_718 = tpu.memref_slice %arg4[%add3A_561, %dma_start3A_717] : memref<212992x128xf32, #tpu.memory_space<hbm>> -> memref<64x64xf32, #tpu.memory_space<hbm>>
        %dma_start3A_719 = arith.constant 64 : i32
        %dma_start3A_720 = tpu.memref_slice %arg4[%add3A_561, %dma_start3A_719] : memref<212992x128xf32, #tpu.memory_space<hbm>> -> memref<64x64xf32, #tpu.memory_space<hbm>>
        %dma_start3A_721 = arith.constant 0 : i32
        %dma_start3A_722 = arith.constant 0 : i32
        %dma_start3A_723 = tpu.memref_slice %arg6[%run_scoped3A_564, %run_scoped3A_565, %dma_start3A_721, %dma_start3A_722] : memref<4x2x64x128xf32, #tpu.memory_space<vmem>> -> memref<1x1x64x128xf32, #tpu.memory_space<vmem>>
        %dma_start3A_724 = tpu.memref_squeeze %dma_start3A_723 : memref<1x1x64x128xf32, #tpu.memory_space<vmem>> -> memref<64x128xf32, #tpu.memory_space<vmem>>
        %dma_start3A_725 = arith.constant 0 : i32
        %dma_start3A_726 = arith.constant 0 : i32
        %dma_start3A_727 = tpu.memref_slice %dma_start3A_724[%dma_start3A_725, %dma_start3A_726] : memref<64x128xf32, #tpu.memory_space<vmem>> -> memref<64x64xf32, #tpu.memory_space<vmem>>
        tpu.enqueue_dma source(%dma_start3A_727 : memref<64x64xf32, #tpu.memory_space<vmem>>) target(%dma_start3A_720 : memref<64x64xf32, #tpu.memory_space<hbm>>) target_semaphore(%run_scoped3A_709 : memref<!tpu.dma_semaphore, #tpu.memory_space<semaphore_mem>>)
        %dma_wait3A_728 = arith.constant 0 : i32
        %dma_wait3A_729 = arith.constant 0 : i32
        %dma_wait3A_730 = tpu.memref_slice %arg6[%run_scoped3A_564, %run_scoped3A_565, %dma_wait3A_728, %dma_wait3A_729] : memref<4x2x64x128xf32, #tpu.memory_space<vmem>> -> memref<1x1x64x128xf32, #tpu.memory_space<vmem>>
        %dma_wait3A_731 = tpu.memref_squeeze %dma_wait3A_730 : memref<1x1x64x128xf32, #tpu.memory_space<vmem>> -> memref<64x128xf32, #tpu.memory_space<vmem>>
        %dma_wait3A_732 = arith.constant 0 : i32
        %dma_wait3A_733 = arith.constant 0 : i32
        %dma_wait3A_734 = tpu.memref_slice %dma_wait3A_731[%dma_wait3A_732, %dma_wait3A_733] : memref<64x128xf32, #tpu.memory_space<vmem>> -> memref<64x64xf32, #tpu.memory_space<vmem>>
        %dma_wait3A_735 = arith.constant 64 : i32
        %dma_wait3A_736 = tpu.memref_slice %arg4[%add3A_561, %dma_wait3A_735] : memref<212992x128xf32, #tpu.memory_space<hbm>> -> memref<64x64xf32, #tpu.memory_space<hbm>>
        %dma_wait3A_737 = arith.constant 64 : i32
        %dma_wait3A_738 = tpu.memref_slice %arg4[%add3A_561, %dma_wait3A_737] : memref<212992x128xf32, #tpu.memory_space<hbm>> -> memref<64x64xf32, #tpu.memory_space<hbm>>
        %dma_wait3A_739 = arith.constant 0 : i32
        %dma_wait3A_740 = arith.constant 0 : i32
        %dma_wait3A_741 = tpu.memref_slice %arg6[%run_scoped3A_564, %run_scoped3A_565, %dma_wait3A_739, %dma_wait3A_740] : memref<4x2x64x128xf32, #tpu.memory_space<vmem>> -> memref<1x1x64x128xf32, #tpu.memory_space<vmem>>
        %dma_wait3A_742 = tpu.memref_squeeze %dma_wait3A_741 : memref<1x1x64x128xf32, #tpu.memory_space<vmem>> -> memref<64x128xf32, #tpu.memory_space<vmem>>
        %dma_wait3A_743 = arith.constant 0 : i32
        %dma_wait3A_744 = arith.constant 0 : i32
        %dma_wait3A_745 = tpu.memref_slice %dma_wait3A_742[%dma_wait3A_743, %dma_wait3A_744] : memref<64x128xf32, #tpu.memory_space<vmem>> -> memref<64x64xf32, #tpu.memory_space<vmem>>
        tpu.wait_dma2 semaphore(%run_scoped3A_709 : memref<!tpu.dma_semaphore, #tpu.memory_space<semaphore_mem>>) src(%dma_wait3A_745 : memref<64x64xf32, #tpu.memory_space<vmem>>) dst(%dma_wait3A_738 : memref<64x64xf32, #tpu.memory_space<hbm>>)
        tpu.yield
      }) : () -> ()
      %add3A_566 = arith.constant 1 : i32
      %add3A_567 = arith.addi %scan3A_440, %add3A_566 : i32
      %lt3A_568 = arith.constant 26 : i32
      %lt3A_569 = arith.cmpi slt, %add3A_567, %lt3A_568 : i32
      %convert_element_type3A_570 = arith.extui %lt3A_569 : i1 to i32
      %cond3A_571 = arith.constant 0 : i32
      %cond3A_572 = arith.cmpi ne, %convert_element_type3A_570, %cond3A_571 : i32
      scf.if %cond3A_572 {
        %add3A_709 = arith.constant 4 : i32
        %add3A_710 = arith.addi %add3A_508, %add3A_709 : i32
        %mul3A_711 = arith.constant 128 : i32
        %mul3A_712 = arith.muli %add3A_710, %mul3A_711 : i32
        %add3A_713 = arith.addi %mul3A_2, %mul3A_712 : i32
        %jit3A_714 = arith.constant 32768 : i32
        %div3A_715 = arith.divsi %add3A_713, %jit3A_714 : i32
        %sign3A_716 = arith.constant 0 : i32
        %sign3A_717 = arith.cmpi sgt, %add3A_713, %sign3A_716 : i32
        %sign3A_718 = arith.extui %sign3A_717 : i1 to i32
        %sign3A_719 = arith.constant 0 : i32
        %sign3A_720 = arith.cmpi slt, %add3A_713, %sign3A_719 : i32
        %sign3A_721 = arith.extui %sign3A_720 : i1 to i32
        %sign3A_722 = arith.subi %sign3A_718, %sign3A_721 : i32
        %sign3A_723 = arith.constant 0 : i32
        %sign3A_724 = arith.cmpi sgt, %jit3A_714, %sign3A_723 : i32
        %sign3A_725 = arith.extui %sign3A_724 : i1 to i32
        %sign3A_726 = arith.constant 0 : i32
        %sign3A_727 = arith.cmpi slt, %jit3A_714, %sign3A_726 : i32
        %sign3A_728 = arith.extui %sign3A_727 : i1 to i32
        %sign3A_729 = arith.subi %sign3A_725, %sign3A_728 : i32
        %ne3A_730 = arith.cmpi ne, %sign3A_722, %sign3A_729 : i32
        %rem3A_731 = arith.remsi %add3A_713, %jit3A_714 : i32
        %ne3A_732 = arith.constant 0 : i32
        %ne3A_733 = arith.cmpi ne, %rem3A_731, %ne3A_732 : i32
        %and3A_734 = arith.andi %ne3A_730, %ne3A_733 : i1
        %sub3A_735 = arith.constant 1 : i32
        %sub3A_736 = arith.subi %div3A_715, %sub3A_735 : i32
        %select_n3A_737 = arith.select %and3A_734, %sub3A_736, %div3A_715 : i32
        %mul3A_738 = arith.constant 32768 : i32
        %mul3A_739 = arith.muli %select_n3A_737, %mul3A_738 : i32
        %sub3A_740 = arith.subi %add3A_713, %mul3A_739 : i32
        %jit3A_741 = arith.constant 2 : i32
        %div3A_742 = arith.divsi %sub3A_740, %jit3A_741 : i32
        %sign3A_743 = arith.constant 0 : i32
        %sign3A_744 = arith.cmpi sgt, %sub3A_740, %sign3A_743 : i32
        %sign3A_745 = arith.extui %sign3A_744 : i1 to i32
        %sign3A_746 = arith.constant 0 : i32
        %sign3A_747 = arith.cmpi slt, %sub3A_740, %sign3A_746 : i32
        %sign3A_748 = arith.extui %sign3A_747 : i1 to i32
        %sign3A_749 = arith.subi %sign3A_745, %sign3A_748 : i32
        %sign3A_750 = arith.constant 0 : i32
        %sign3A_751 = arith.cmpi sgt, %jit3A_741, %sign3A_750 : i32
        %sign3A_752 = arith.extui %sign3A_751 : i1 to i32
        %sign3A_753 = arith.constant 0 : i32
        %sign3A_754 = arith.cmpi slt, %jit3A_741, %sign3A_753 : i32
        %sign3A_755 = arith.extui %sign3A_754 : i1 to i32
        %sign3A_756 = arith.subi %sign3A_752, %sign3A_755 : i32
        %ne3A_757 = arith.cmpi ne, %sign3A_749, %sign3A_756 : i32
        %rem3A_758 = arith.remsi %sub3A_740, %jit3A_741 : i32
        %ne3A_759 = arith.constant 0 : i32
        %ne3A_760 = arith.cmpi ne, %rem3A_758, %ne3A_759 : i32
        %and3A_761 = arith.andi %ne3A_757, %ne3A_760 : i1
        %sub3A_762 = arith.constant 1 : i32
        %sub3A_763 = arith.subi %div3A_742, %sub3A_762 : i32
        %select_n3A_764 = arith.select %and3A_761, %sub3A_763, %div3A_742 : i32
        %eq3A_765 = arith.cmpi eq, %select_n3A_737, %select_n3A : i32
        %jit3A_766 = arith.constant 0 : i32
        %select_n3A_767 = arith.select %eq3A_765, %select_n3A_73, %jit3A_766 : i32
        %sub3A_768 = arith.subi %select_n3A_764, %select_n3A_767 : i32
        %multiple_of3A_769 = tpu.assume_multiple %sub3A_768, 8 : i32
        %eq3A_770 = arith.cmpi eq, %select_n3A_737, %select_n3A : i32
        %jit3A_771 = arith.constant 0 : i32
        %jit3A_772 = arith.constant 2 : i32
        %select_n3A_773 = arith.select %eq3A_770, %jit3A_771, %jit3A_772 : i32
        %add3A_774 = arith.constant 1 : i32
        %add3A_775 = arith.addi %select_n3A_773, %add3A_774 : i32
        %dma_start3A_776 = arith.constant 1 : i32
        %dma_start3A_777 = arith.constant 0 : i32
        %dma_start3A_778 = arith.constant 0 : i32
        %dma_start3A_779 = arith.constant 0 : i32
        %dma_start3A_780 = tpu.memref_slice %arg6[%dma_start3A_776, %dma_start3A_777, %dma_start3A_778, %dma_start3A_779] : memref<4x2x64x128xf32, #tpu.memory_space<vmem>> -> memref<1x1x64x128xf32, #tpu.memory_space<vmem>>
        %dma_start3A_781 = tpu.memref_squeeze %dma_start3A_780 : memref<1x1x64x128xf32, #tpu.memory_space<vmem>> -> memref<64x128xf32, #tpu.memory_space<vmem>>
        %dma_start3A_782 = tpu.memref_slice %arg5[%select_n3A_773, %multiple_of3A_769] : memref<4x6656xi32, #tpu.memory_space<vmem>> -> memref<1x64xi32, #tpu.memory_space<vmem>>
        %dma_start3A_783 = tpu.memref_squeeze %dma_start3A_782 : memref<1x64xi32, #tpu.memory_space<vmem>> -> memref<64xi32, #tpu.memory_space<vmem>>
        %dma_start3A_784 = arith.constant 0 : i32
        %dma_start3A_785 = arith.constant 0 : i32
        %dma_start3A_786 = tpu.memref_slice %arg2[%dma_start3A_784, %dma_start3A_785] : memref<1000000x128xf32, #tpu.memory_space<hbm>> -> memref<1000000x128xf32, #tpu.memory_space<hbm>>
        tpu.enqueue_indirect_dma source(%dma_start3A_786 : memref<1000000x128xf32, #tpu.memory_space<hbm>>) target(%dma_start3A_781 : memref<64x128xf32, #tpu.memory_space<vmem>>) offsets(%dma_start3A_783 : memref<64xi32, #tpu.memory_space<vmem>>) semaphore(%arg7 : memref<!tpu.dma_semaphore, #tpu.memory_space<semaphore_mem>>)
        %dma_start3A_787 = arith.constant 1 : i32
        %dma_start3A_788 = arith.constant 1 : i32
        %dma_start3A_789 = arith.constant 0 : i32
        %dma_start3A_790 = arith.constant 0 : i32
        %dma_start3A_791 = tpu.memref_slice %arg6[%dma_start3A_787, %dma_start3A_788, %dma_start3A_789, %dma_start3A_790] : memref<4x2x64x128xf32, #tpu.memory_space<vmem>> -> memref<1x1x64x128xf32, #tpu.memory_space<vmem>>
        %dma_start3A_792 = tpu.memref_squeeze %dma_start3A_791 : memref<1x1x64x128xf32, #tpu.memory_space<vmem>> -> memref<64x128xf32, #tpu.memory_space<vmem>>
        %dma_start3A_793 = tpu.memref_slice %arg5[%add3A_775, %multiple_of3A_769] : memref<4x6656xi32, #tpu.memory_space<vmem>> -> memref<1x64xi32, #tpu.memory_space<vmem>>
        %dma_start3A_794 = tpu.memref_squeeze %dma_start3A_793 : memref<1x64xi32, #tpu.memory_space<vmem>> -> memref<64xi32, #tpu.memory_space<vmem>>
        %dma_start3A_795 = arith.constant 0 : i32
        %dma_start3A_796 = arith.constant 0 : i32
        %dma_start3A_797 = tpu.memref_slice %arg2[%dma_start3A_795, %dma_start3A_796] : memref<1000000x128xf32, #tpu.memory_space<hbm>> -> memref<1000000x128xf32, #tpu.memory_space<hbm>>
        tpu.enqueue_indirect_dma source(%dma_start3A_797 : memref<1000000x128xf32, #tpu.memory_space<hbm>>) target(%dma_start3A_792 : memref<64x128xf32, #tpu.memory_space<vmem>>) offsets(%dma_start3A_794 : memref<64xi32, #tpu.memory_space<vmem>>) semaphore(%arg7 : memref<!tpu.dma_semaphore, #tpu.memory_space<semaphore_mem>>)
      } else {
      }
      %mul3A_573 = arith.constant 4 : i32
      %mul3A_574 = arith.muli %scan3A_440, %mul3A_573 : i32
      %add3A_575 = arith.constant 2 : i32
      %add3A_576 = arith.addi %mul3A_574, %add3A_575 : i32
      %dma_wait3A_577 = arith.constant 0 : i32
      %dma_wait3A_578 = arith.constant 2 : i32
      %dma_wait3A_579 = arith.constant 0 : i32
      %dma_wait3A_580 = arith.constant 0 : i32
      %dma_wait3A_581 = arith.constant 0 : i32
      %dma_wait3A_582 = tpu.memref_slice %arg6[%dma_wait3A_578, %dma_wait3A_579, %dma_wait3A_580, %dma_wait3A_581] : memref<4x2x64x128xf32, #tpu.memory_space<vmem>> -> memref<1x1x64x128xf32, #tpu.memory_space<vmem>>
      %dma_wait3A_583 = tpu.memref_squeeze %dma_wait3A_582 : memref<1x1x64x128xf32, #tpu.memory_space<vmem>> -> memref<64x128xf32, #tpu.memory_space<vmem>>
      %dma_wait3A_584 = arith.constant 0 : i32
      %dma_wait3A_585 = tpu.memref_slice %arg5[%dma_wait3A_577, %dma_wait3A_584] : memref<4x6656xi32, #tpu.memory_space<vmem>> -> memref<1x64xi32, #tpu.memory_space<vmem>>
      %dma_wait3A_586 = tpu.memref_squeeze %dma_wait3A_585 : memref<1x64xi32, #tpu.memory_space<vmem>> -> memref<64xi32, #tpu.memory_space<vmem>>
      %dma_wait3A_587 = arith.constant 0 : i32
      %dma_wait3A_588 = arith.constant 0 : i32
      %dma_wait3A_589 = tpu.memref_slice %arg2[%dma_wait3A_587, %dma_wait3A_588] : memref<1000000x128xf32, #tpu.memory_space<hbm>> -> memref<1000000x128xf32, #tpu.memory_space<hbm>>
      tpu.wait_indirect_dma semaphore(%arg7 : memref<!tpu.dma_semaphore, #tpu.memory_space<semaphore_mem>>) src(%dma_wait3A_589 : memref<1000000x128xf32, #tpu.memory_space<hbm>>) dst(%dma_wait3A_583 : memref<64x128xf32, #tpu.memory_space<vmem>>)
      %dma_wait3A_590 = arith.constant 0 : i32
      %dma_wait3A_591 = arith.constant 2 : i32
      %dma_wait3A_592 = arith.constant 1 : i32
      %dma_wait3A_593 = arith.constant 0 : i32
      %dma_wait3A_594 = arith.constant 0 : i32
      %dma_wait3A_595 = tpu.memref_slice %arg6[%dma_wait3A_591, %dma_wait3A_592, %dma_wait3A_593, %dma_wait3A_594] : memref<4x2x64x128xf32, #tpu.memory_space<vmem>> -> memref<1x1x64x128xf32, #tpu.memory_space<vmem>>
      %dma_wait3A_596 = tpu.memref_squeeze %dma_wait3A_595 : memref<1x1x64x128xf32, #tpu.memory_space<vmem>> -> memref<64x128xf32, #tpu.memory_space<vmem>>
      %dma_wait3A_597 = arith.constant 0 : i32
      %dma_wait3A_598 = tpu.memref_slice %arg5[%dma_wait3A_590, %dma_wait3A_597] : memref<4x6656xi32, #tpu.memory_space<vmem>> -> memref<1x64xi32, #tpu.memory_space<vmem>>
      %dma_wait3A_599 = tpu.memref_squeeze %dma_wait3A_598 : memref<1x64xi32, #tpu.memory_space<vmem>> -> memref<64xi32, #tpu.memory_space<vmem>>
      %dma_wait3A_600 = arith.constant 0 : i32
      %dma_wait3A_601 = arith.constant 0 : i32
      %dma_wait3A_602 = tpu.memref_slice %arg2[%dma_wait3A_600, %dma_wait3A_601] : memref<1000000x128xf32, #tpu.memory_space<hbm>> -> memref<1000000x128xf32, #tpu.memory_space<hbm>>
      tpu.wait_indirect_dma semaphore(%arg7 : memref<!tpu.dma_semaphore, #tpu.memory_space<semaphore_mem>>) src(%dma_wait3A_602 : memref<1000000x128xf32, #tpu.memory_space<hbm>>) dst(%dma_wait3A_596 : memref<64x128xf32, #tpu.memory_space<vmem>>)
      %jit3A_603 = arith.constant 2 : i32
      %div3A_604 = arith.divsi %mul3A_2, %jit3A_603 : i32
      %sign3A_605 = arith.constant 0 : i32
      %sign3A_606 = arith.cmpi sgt, %mul3A_2, %sign3A_605 : i32
      %sign3A_607 = arith.extui %sign3A_606 : i1 to i32
      %sign3A_608 = arith.constant 0 : i32
      %sign3A_609 = arith.cmpi slt, %mul3A_2, %sign3A_608 : i32
      %sign3A_610 = arith.extui %sign3A_609 : i1 to i32
      %sign3A_611 = arith.subi %sign3A_607, %sign3A_610 : i32
      %sign3A_612 = arith.constant 0 : i32
      %sign3A_613 = arith.cmpi sgt, %jit3A_603, %sign3A_612 : i32
      %sign3A_614 = arith.extui %sign3A_613 : i1 to i32
      %sign3A_615 = arith.constant 0 : i32
      %sign3A_616 = arith.cmpi slt, %jit3A_603, %sign3A_615 : i32
      %sign3A_617 = arith.extui %sign3A_616 : i1 to i32
      %sign3A_618 = arith.subi %sign3A_614, %sign3A_617 : i32
      %ne3A_619 = arith.cmpi ne, %sign3A_611, %sign3A_618 : i32
      %rem3A_620 = arith.remsi %mul3A_2, %jit3A_603 : i32
      %ne3A_621 = arith.constant 0 : i32
      %ne3A_622 = arith.cmpi ne, %rem3A_620, %ne3A_621 : i32
      %and3A_623 = arith.andi %ne3A_619, %ne3A_622 : i1
      %sub3A_624 = arith.constant 1 : i32
      %sub3A_625 = arith.subi %div3A_604, %sub3A_624 : i32
      %select_n3A_626 = arith.select %and3A_623, %sub3A_625, %div3A_604 : i32
      %mul3A_627 = arith.constant 64 : i32
      %mul3A_628 = arith.muli %add3A_576, %mul3A_627 : i32
      %add3A_629 = arith.addi %select_n3A_626, %mul3A_628 : i32
      %run_scoped3A_630 = arith.constant 2 : i32
      %run_scoped3A_631 = arith.constant 0 : i32
      "tpu.region"() ({
        %run_scoped3A_709 = tpu.sem_alloc : memref<!tpu.dma_semaphore, #tpu.memory_space<semaphore_mem>>
        %dma_start3A_710 = arith.constant 0 : i32
        %dma_start3A_711 = arith.constant 0 : i32
        %dma_start3A_712 = tpu.memref_slice %arg6[%run_scoped3A_630, %run_scoped3A_631, %dma_start3A_710, %dma_start3A_711] : memref<4x2x64x128xf32, #tpu.memory_space<vmem>> -> memref<1x1x64x128xf32, #tpu.memory_space<vmem>>
        %dma_start3A_713 = tpu.memref_squeeze %dma_start3A_712 : memref<1x1x64x128xf32, #tpu.memory_space<vmem>> -> memref<64x128xf32, #tpu.memory_space<vmem>>
        %dma_start3A_714 = arith.constant 0 : i32
        %dma_start3A_715 = arith.constant 0 : i32
        %dma_start3A_716 = tpu.memref_slice %dma_start3A_713[%dma_start3A_714, %dma_start3A_715] : memref<64x128xf32, #tpu.memory_space<vmem>> -> memref<64x64xf32, #tpu.memory_space<vmem>>
        %dma_start3A_717 = arith.constant 0 : i32
        %dma_start3A_718 = tpu.memref_slice %arg4[%add3A_629, %dma_start3A_717] : memref<212992x128xf32, #tpu.memory_space<hbm>> -> memref<64x64xf32, #tpu.memory_space<hbm>>
        %dma_start3A_719 = arith.constant 0 : i32
        %dma_start3A_720 = tpu.memref_slice %arg4[%add3A_629, %dma_start3A_719] : memref<212992x128xf32, #tpu.memory_space<hbm>> -> memref<64x64xf32, #tpu.memory_space<hbm>>
        %dma_start3A_721 = arith.constant 0 : i32
        %dma_start3A_722 = arith.constant 0 : i32
        %dma_start3A_723 = tpu.memref_slice %arg6[%run_scoped3A_630, %run_scoped3A_631, %dma_start3A_721, %dma_start3A_722] : memref<4x2x64x128xf32, #tpu.memory_space<vmem>> -> memref<1x1x64x128xf32, #tpu.memory_space<vmem>>
        %dma_start3A_724 = tpu.memref_squeeze %dma_start3A_723 : memref<1x1x64x128xf32, #tpu.memory_space<vmem>> -> memref<64x128xf32, #tpu.memory_space<vmem>>
        %dma_start3A_725 = arith.constant 0 : i32
        %dma_start3A_726 = arith.constant 0 : i32
        %dma_start3A_727 = tpu.memref_slice %dma_start3A_724[%dma_start3A_725, %dma_start3A_726] : memref<64x128xf32, #tpu.memory_space<vmem>> -> memref<64x64xf32, #tpu.memory_space<vmem>>
        tpu.enqueue_dma source(%dma_start3A_727 : memref<64x64xf32, #tpu.memory_space<vmem>>) target(%dma_start3A_720 : memref<64x64xf32, #tpu.memory_space<hbm>>) target_semaphore(%run_scoped3A_709 : memref<!tpu.dma_semaphore, #tpu.memory_space<semaphore_mem>>)
        %dma_wait3A_728 = arith.constant 0 : i32
        %dma_wait3A_729 = arith.constant 0 : i32
        %dma_wait3A_730 = tpu.memref_slice %arg6[%run_scoped3A_630, %run_scoped3A_631, %dma_wait3A_728, %dma_wait3A_729] : memref<4x2x64x128xf32, #tpu.memory_space<vmem>> -> memref<1x1x64x128xf32, #tpu.memory_space<vmem>>
        %dma_wait3A_731 = tpu.memref_squeeze %dma_wait3A_730 : memref<1x1x64x128xf32, #tpu.memory_space<vmem>> -> memref<64x128xf32, #tpu.memory_space<vmem>>
        %dma_wait3A_732 = arith.constant 0 : i32
        %dma_wait3A_733 = arith.constant 0 : i32
        %dma_wait3A_734 = tpu.memref_slice %dma_wait3A_731[%dma_wait3A_732, %dma_wait3A_733] : memref<64x128xf32, #tpu.memory_space<vmem>> -> memref<64x64xf32, #tpu.memory_space<vmem>>
        %dma_wait3A_735 = arith.constant 0 : i32
        %dma_wait3A_736 = tpu.memref_slice %arg4[%add3A_629, %dma_wait3A_735] : memref<212992x128xf32, #tpu.memory_space<hbm>> -> memref<64x64xf32, #tpu.memory_space<hbm>>
        %dma_wait3A_737 = arith.constant 0 : i32
        %dma_wait3A_738 = tpu.memref_slice %arg4[%add3A_629, %dma_wait3A_737] : memref<212992x128xf32, #tpu.memory_space<hbm>> -> memref<64x64xf32, #tpu.memory_space<hbm>>
        %dma_wait3A_739 = arith.constant 0 : i32
        %dma_wait3A_740 = arith.constant 0 : i32
        %dma_wait3A_741 = tpu.memref_slice %arg6[%run_scoped3A_630, %run_scoped3A_631, %dma_wait3A_739, %dma_wait3A_740] : memref<4x2x64x128xf32, #tpu.memory_space<vmem>> -> memref<1x1x64x128xf32, #tpu.memory_space<vmem>>
        %dma_wait3A_742 = tpu.memref_squeeze %dma_wait3A_741 : memref<1x1x64x128xf32, #tpu.memory_space<vmem>> -> memref<64x128xf32, #tpu.memory_space<vmem>>
        %dma_wait3A_743 = arith.constant 0 : i32
        %dma_wait3A_744 = arith.constant 0 : i32
        %dma_wait3A_745 = tpu.memref_slice %dma_wait3A_742[%dma_wait3A_743, %dma_wait3A_744] : memref<64x128xf32, #tpu.memory_space<vmem>> -> memref<64x64xf32, #tpu.memory_space<vmem>>
        tpu.wait_dma2 semaphore(%run_scoped3A_709 : memref<!tpu.dma_semaphore, #tpu.memory_space<semaphore_mem>>) src(%dma_wait3A_745 : memref<64x64xf32, #tpu.memory_space<vmem>>) dst(%dma_wait3A_738 : memref<64x64xf32, #tpu.memory_space<hbm>>)
        tpu.yield
      }) : () -> ()
      %run_scoped3A_632 = arith.constant 2 : i32
      %run_scoped3A_633 = arith.constant 1 : i32
      "tpu.region"() ({
        %run_scoped3A_709 = tpu.sem_alloc : memref<!tpu.dma_semaphore, #tpu.memory_space<semaphore_mem>>
        %dma_start3A_710 = arith.constant 0 : i32
        %dma_start3A_711 = arith.constant 0 : i32
        %dma_start3A_712 = tpu.memref_slice %arg6[%run_scoped3A_632, %run_scoped3A_633, %dma_start3A_710, %dma_start3A_711] : memref<4x2x64x128xf32, #tpu.memory_space<vmem>> -> memref<1x1x64x128xf32, #tpu.memory_space<vmem>>
        %dma_start3A_713 = tpu.memref_squeeze %dma_start3A_712 : memref<1x1x64x128xf32, #tpu.memory_space<vmem>> -> memref<64x128xf32, #tpu.memory_space<vmem>>
        %dma_start3A_714 = arith.constant 0 : i32
        %dma_start3A_715 = arith.constant 0 : i32
        %dma_start3A_716 = tpu.memref_slice %dma_start3A_713[%dma_start3A_714, %dma_start3A_715] : memref<64x128xf32, #tpu.memory_space<vmem>> -> memref<64x64xf32, #tpu.memory_space<vmem>>
        %dma_start3A_717 = arith.constant 64 : i32
        %dma_start3A_718 = tpu.memref_slice %arg4[%add3A_629, %dma_start3A_717] : memref<212992x128xf32, #tpu.memory_space<hbm>> -> memref<64x64xf32, #tpu.memory_space<hbm>>
        %dma_start3A_719 = arith.constant 64 : i32
        %dma_start3A_720 = tpu.memref_slice %arg4[%add3A_629, %dma_start3A_719] : memref<212992x128xf32, #tpu.memory_space<hbm>> -> memref<64x64xf32, #tpu.memory_space<hbm>>
        %dma_start3A_721 = arith.constant 0 : i32
        %dma_start3A_722 = arith.constant 0 : i32
        %dma_start3A_723 = tpu.memref_slice %arg6[%run_scoped3A_632, %run_scoped3A_633, %dma_start3A_721, %dma_start3A_722] : memref<4x2x64x128xf32, #tpu.memory_space<vmem>> -> memref<1x1x64x128xf32, #tpu.memory_space<vmem>>
        %dma_start3A_724 = tpu.memref_squeeze %dma_start3A_723 : memref<1x1x64x128xf32, #tpu.memory_space<vmem>> -> memref<64x128xf32, #tpu.memory_space<vmem>>
        %dma_start3A_725 = arith.constant 0 : i32
        %dma_start3A_726 = arith.constant 0 : i32
        %dma_start3A_727 = tpu.memref_slice %dma_start3A_724[%dma_start3A_725, %dma_start3A_726] : memref<64x128xf32, #tpu.memory_space<vmem>> -> memref<64x64xf32, #tpu.memory_space<vmem>>
        tpu.enqueue_dma source(%dma_start3A_727 : memref<64x64xf32, #tpu.memory_space<vmem>>) target(%dma_start3A_720 : memref<64x64xf32, #tpu.memory_space<hbm>>) target_semaphore(%run_scoped3A_709 : memref<!tpu.dma_semaphore, #tpu.memory_space<semaphore_mem>>)
        %dma_wait3A_728 = arith.constant 0 : i32
        %dma_wait3A_729 = arith.constant 0 : i32
        %dma_wait3A_730 = tpu.memref_slice %arg6[%run_scoped3A_632, %run_scoped3A_633, %dma_wait3A_728, %dma_wait3A_729] : memref<4x2x64x128xf32, #tpu.memory_space<vmem>> -> memref<1x1x64x128xf32, #tpu.memory_space<vmem>>
        %dma_wait3A_731 = tpu.memref_squeeze %dma_wait3A_730 : memref<1x1x64x128xf32, #tpu.memory_space<vmem>> -> memref<64x128xf32, #tpu.memory_space<vmem>>
        %dma_wait3A_732 = arith.constant 0 : i32
        %dma_wait3A_733 = arith.constant 0 : i32
        %dma_wait3A_734 = tpu.memref_slice %dma_wait3A_731[%dma_wait3A_732, %dma_wait3A_733] : memref<64x128xf32, #tpu.memory_space<vmem>> -> memref<64x64xf32, #tpu.memory_space<vmem>>
        %dma_wait3A_735 = arith.constant 64 : i32
        %dma_wait3A_736 = tpu.memref_slice %arg4[%add3A_629, %dma_wait3A_735] : memref<212992x128xf32, #tpu.memory_space<hbm>> -> memref<64x64xf32, #tpu.memory_space<hbm>>
        %dma_wait3A_737 = arith.constant 64 : i32
        %dma_wait3A_738 = tpu.memref_slice %arg4[%add3A_629, %dma_wait3A_737] : memref<212992x128xf32, #tpu.memory_space<hbm>> -> memref<64x64xf32, #tpu.memory_space<hbm>>
        %dma_wait3A_739 = arith.constant 0 : i32
        %dma_wait3A_740 = arith.constant 0 : i32
        %dma_wait3A_741 = tpu.memref_slice %arg6[%run_scoped3A_632, %run_scoped3A_633, %dma_wait3A_739, %dma_wait3A_740] : memref<4x2x64x128xf32, #tpu.memory_space<vmem>> -> memref<1x1x64x128xf32, #tpu.memory_space<vmem>>
        %dma_wait3A_742 = tpu.memref_squeeze %dma_wait3A_741 : memref<1x1x64x128xf32, #tpu.memory_space<vmem>> -> memref<64x128xf32, #tpu.memory_space<vmem>>
        %dma_wait3A_743 = arith.constant 0 : i32
        %dma_wait3A_744 = arith.constant 0 : i32
        %dma_wait3A_745 = tpu.memref_slice %dma_wait3A_742[%dma_wait3A_743, %dma_wait3A_744] : memref<64x128xf32, #tpu.memory_space<vmem>> -> memref<64x64xf32, #tpu.memory_space<vmem>>
        tpu.wait_dma2 semaphore(%run_scoped3A_709 : memref<!tpu.dma_semaphore, #tpu.memory_space<semaphore_mem>>) src(%dma_wait3A_745 : memref<64x64xf32, #tpu.memory_space<vmem>>) dst(%dma_wait3A_738 : memref<64x64xf32, #tpu.memory_space<hbm>>)
        tpu.yield
      }) : () -> ()
      %add3A_634 = arith.constant 1 : i32
      %add3A_635 = arith.addi %scan3A_440, %add3A_634 : i32
      %lt3A_636 = arith.constant 26 : i32
      %lt3A_637 = arith.cmpi slt, %add3A_635, %lt3A_636 : i32
      %convert_element_type3A_638 = arith.extui %lt3A_637 : i1 to i32
      %cond3A_639 = arith.constant 0 : i32
      %cond3A_640 = arith.cmpi ne, %convert_element_type3A_638, %cond3A_639 : i32
      scf.if %cond3A_640 {
        %add3A_709 = arith.constant 4 : i32
        %add3A_710 = arith.addi %add3A_576, %add3A_709 : i32
        %mul3A_711 = arith.constant 128 : i32
        %mul3A_712 = arith.muli %add3A_710, %mul3A_711 : i32
        %add3A_713 = arith.addi %mul3A_2, %mul3A_712 : i32
        %jit3A_714 = arith.constant 32768 : i32
        %div3A_715 = arith.divsi %add3A_713, %jit3A_714 : i32
        %sign3A_716 = arith.constant 0 : i32
        %sign3A_717 = arith.cmpi sgt, %add3A_713, %sign3A_716 : i32
        %sign3A_718 = arith.extui %sign3A_717 : i1 to i32
        %sign3A_719 = arith.constant 0 : i32
        %sign3A_720 = arith.cmpi slt, %add3A_713, %sign3A_719 : i32
        %sign3A_721 = arith.extui %sign3A_720 : i1 to i32
        %sign3A_722 = arith.subi %sign3A_718, %sign3A_721 : i32
        %sign3A_723 = arith.constant 0 : i32
        %sign3A_724 = arith.cmpi sgt, %jit3A_714, %sign3A_723 : i32
        %sign3A_725 = arith.extui %sign3A_724 : i1 to i32
        %sign3A_726 = arith.constant 0 : i32
        %sign3A_727 = arith.cmpi slt, %jit3A_714, %sign3A_726 : i32
        %sign3A_728 = arith.extui %sign3A_727 : i1 to i32
        %sign3A_729 = arith.subi %sign3A_725, %sign3A_728 : i32
        %ne3A_730 = arith.cmpi ne, %sign3A_722, %sign3A_729 : i32
        %rem3A_731 = arith.remsi %add3A_713, %jit3A_714 : i32
        %ne3A_732 = arith.constant 0 : i32
        %ne3A_733 = arith.cmpi ne, %rem3A_731, %ne3A_732 : i32
        %and3A_734 = arith.andi %ne3A_730, %ne3A_733 : i1
        %sub3A_735 = arith.constant 1 : i32
        %sub3A_736 = arith.subi %div3A_715, %sub3A_735 : i32
        %select_n3A_737 = arith.select %and3A_734, %sub3A_736, %div3A_715 : i32
        %mul3A_738 = arith.constant 32768 : i32
        %mul3A_739 = arith.muli %select_n3A_737, %mul3A_738 : i32
        %sub3A_740 = arith.subi %add3A_713, %mul3A_739 : i32
        %jit3A_741 = arith.constant 2 : i32
        %div3A_742 = arith.divsi %sub3A_740, %jit3A_741 : i32
        %sign3A_743 = arith.constant 0 : i32
        %sign3A_744 = arith.cmpi sgt, %sub3A_740, %sign3A_743 : i32
        %sign3A_745 = arith.extui %sign3A_744 : i1 to i32
        %sign3A_746 = arith.constant 0 : i32
        %sign3A_747 = arith.cmpi slt, %sub3A_740, %sign3A_746 : i32
        %sign3A_748 = arith.extui %sign3A_747 : i1 to i32
        %sign3A_749 = arith.subi %sign3A_745, %sign3A_748 : i32
        %sign3A_750 = arith.constant 0 : i32
        %sign3A_751 = arith.cmpi sgt, %jit3A_741, %sign3A_750 : i32
        %sign3A_752 = arith.extui %sign3A_751 : i1 to i32
        %sign3A_753 = arith.constant 0 : i32
        %sign3A_754 = arith.cmpi slt, %jit3A_741, %sign3A_753 : i32
        %sign3A_755 = arith.extui %sign3A_754 : i1 to i32
        %sign3A_756 = arith.subi %sign3A_752, %sign3A_755 : i32
        %ne3A_757 = arith.cmpi ne, %sign3A_749, %sign3A_756 : i32
        %rem3A_758 = arith.remsi %sub3A_740, %jit3A_741 : i32
        %ne3A_759 = arith.constant 0 : i32
        %ne3A_760 = arith.cmpi ne, %rem3A_758, %ne3A_759 : i32
        %and3A_761 = arith.andi %ne3A_757, %ne3A_760 : i1
        %sub3A_762 = arith.constant 1 : i32
        %sub3A_763 = arith.subi %div3A_742, %sub3A_762 : i32
        %select_n3A_764 = arith.select %and3A_761, %sub3A_763, %div3A_742 : i32
        %eq3A_765 = arith.cmpi eq, %select_n3A_737, %select_n3A : i32
        %jit3A_766 = arith.constant 0 : i32
        %select_n3A_767 = arith.select %eq3A_765, %select_n3A_73, %jit3A_766 : i32
        %sub3A_768 = arith.subi %select_n3A_764, %select_n3A_767 : i32
        %multiple_of3A_769 = tpu.assume_multiple %sub3A_768, 8 : i32
        %eq3A_770 = arith.cmpi eq, %select_n3A_737, %select_n3A : i32
        %jit3A_771 = arith.constant 0 : i32
        %jit3A_772 = arith.constant 2 : i32
        %select_n3A_773 = arith.select %eq3A_770, %jit3A_771, %jit3A_772 : i32
        %add3A_774 = arith.constant 1 : i32
        %add3A_775 = arith.addi %select_n3A_773, %add3A_774 : i32
        %dma_start3A_776 = arith.constant 2 : i32
        %dma_start3A_777 = arith.constant 0 : i32
        %dma_start3A_778 = arith.constant 0 : i32
        %dma_start3A_779 = arith.constant 0 : i32
        %dma_start3A_780 = tpu.memref_slice %arg6[%dma_start3A_776, %dma_start3A_777, %dma_start3A_778, %dma_start3A_779] : memref<4x2x64x128xf32, #tpu.memory_space<vmem>> -> memref<1x1x64x128xf32, #tpu.memory_space<vmem>>
        %dma_start3A_781 = tpu.memref_squeeze %dma_start3A_780 : memref<1x1x64x128xf32, #tpu.memory_space<vmem>> -> memref<64x128xf32, #tpu.memory_space<vmem>>
        %dma_start3A_782 = tpu.memref_slice %arg5[%select_n3A_773, %multiple_of3A_769] : memref<4x6656xi32, #tpu.memory_space<vmem>> -> memref<1x64xi32, #tpu.memory_space<vmem>>
        %dma_start3A_783 = tpu.memref_squeeze %dma_start3A_782 : memref<1x64xi32, #tpu.memory_space<vmem>> -> memref<64xi32, #tpu.memory_space<vmem>>
        %dma_start3A_784 = arith.constant 0 : i32
        %dma_start3A_785 = arith.constant 0 : i32
        %dma_start3A_786 = tpu.memref_slice %arg2[%dma_start3A_784, %dma_start3A_785] : memref<1000000x128xf32, #tpu.memory_space<hbm>> -> memref<1000000x128xf32, #tpu.memory_space<hbm>>
        tpu.enqueue_indirect_dma source(%dma_start3A_786 : memref<1000000x128xf32, #tpu.memory_space<hbm>>) target(%dma_start3A_781 : memref<64x128xf32, #tpu.memory_space<vmem>>) offsets(%dma_start3A_783 : memref<64xi32, #tpu.memory_space<vmem>>) semaphore(%arg7 : memref<!tpu.dma_semaphore, #tpu.memory_space<semaphore_mem>>)
        %dma_start3A_787 = arith.constant 2 : i32
        %dma_start3A_788 = arith.constant 1 : i32
        %dma_start3A_789 = arith.constant 0 : i32
        %dma_start3A_790 = arith.constant 0 : i32
        %dma_start3A_791 = tpu.memref_slice %arg6[%dma_start3A_787, %dma_start3A_788, %dma_start3A_789, %dma_start3A_790] : memref<4x2x64x128xf32, #tpu.memory_space<vmem>> -> memref<1x1x64x128xf32, #tpu.memory_space<vmem>>
        %dma_start3A_792 = tpu.memref_squeeze %dma_start3A_791 : memref<1x1x64x128xf32, #tpu.memory_space<vmem>> -> memref<64x128xf32, #tpu.memory_space<vmem>>
        %dma_start3A_793 = tpu.memref_slice %arg5[%add3A_775, %multiple_of3A_769] : memref<4x6656xi32, #tpu.memory_space<vmem>> -> memref<1x64xi32, #tpu.memory_space<vmem>>
        %dma_start3A_794 = tpu.memref_squeeze %dma_start3A_793 : memref<1x64xi32, #tpu.memory_space<vmem>> -> memref<64xi32, #tpu.memory_space<vmem>>
        %dma_start3A_795 = arith.constant 0 : i32
        %dma_start3A_796 = arith.constant 0 : i32
        %dma_start3A_797 = tpu.memref_slice %arg2[%dma_start3A_795, %dma_start3A_796] : memref<1000000x128xf32, #tpu.memory_space<hbm>> -> memref<1000000x128xf32, #tpu.memory_space<hbm>>
        tpu.enqueue_indirect_dma source(%dma_start3A_797 : memref<1000000x128xf32, #tpu.memory_space<hbm>>) target(%dma_start3A_792 : memref<64x128xf32, #tpu.memory_space<vmem>>) offsets(%dma_start3A_794 : memref<64xi32, #tpu.memory_space<vmem>>) semaphore(%arg7 : memref<!tpu.dma_semaphore, #tpu.memory_space<semaphore_mem>>)
      } else {
      }
      %mul3A_641 = arith.constant 4 : i32
      %mul3A_642 = arith.muli %scan3A_440, %mul3A_641 : i32
      %add3A_643 = arith.constant 3 : i32
      %add3A_644 = arith.addi %mul3A_642, %add3A_643 : i32
      %dma_wait3A_645 = arith.constant 0 : i32
      %dma_wait3A_646 = arith.constant 3 : i32
      %dma_wait3A_647 = arith.constant 0 : i32
      %dma_wait3A_648 = arith.constant 0 : i32
      %dma_wait3A_649 = arith.constant 0 : i32
      %dma_wait3A_650 = tpu.memref_slice %arg6[%dma_wait3A_646, %dma_wait3A_647, %dma_wait3A_648, %dma_wait3A_649] : memref<4x2x64x128xf32, #tpu.memory_space<vmem>> -> memref<1x1x64x128xf32, #tpu.memory_space<vmem>>
      %dma_wait3A_651 = tpu.memref_squeeze %dma_wait3A_650 : memref<1x1x64x128xf32, #tpu.memory_space<vmem>> -> memref<64x128xf32, #tpu.memory_space<vmem>>
      %dma_wait3A_652 = arith.constant 0 : i32
      %dma_wait3A_653 = tpu.memref_slice %arg5[%dma_wait3A_645, %dma_wait3A_652] : memref<4x6656xi32, #tpu.memory_space<vmem>> -> memref<1x64xi32, #tpu.memory_space<vmem>>
      %dma_wait3A_654 = tpu.memref_squeeze %dma_wait3A_653 : memref<1x64xi32, #tpu.memory_space<vmem>> -> memref<64xi32, #tpu.memory_space<vmem>>
      %dma_wait3A_655 = arith.constant 0 : i32
      %dma_wait3A_656 = arith.constant 0 : i32
      %dma_wait3A_657 = tpu.memref_slice %arg2[%dma_wait3A_655, %dma_wait3A_656] : memref<1000000x128xf32, #tpu.memory_space<hbm>> -> memref<1000000x128xf32, #tpu.memory_space<hbm>>
      tpu.wait_indirect_dma semaphore(%arg7 : memref<!tpu.dma_semaphore, #tpu.memory_space<semaphore_mem>>) src(%dma_wait3A_657 : memref<1000000x128xf32, #tpu.memory_space<hbm>>) dst(%dma_wait3A_651 : memref<64x128xf32, #tpu.memory_space<vmem>>)
      %dma_wait3A_658 = arith.constant 0 : i32
      %dma_wait3A_659 = arith.constant 3 : i32
      %dma_wait3A_660 = arith.constant 1 : i32
      %dma_wait3A_661 = arith.constant 0 : i32
      %dma_wait3A_662 = arith.constant 0 : i32
      %dma_wait3A_663 = tpu.memref_slice %arg6[%dma_wait3A_659, %dma_wait3A_660, %dma_wait3A_661, %dma_wait3A_662] : memref<4x2x64x128xf32, #tpu.memory_space<vmem>> -> memref<1x1x64x128xf32, #tpu.memory_space<vmem>>
      %dma_wait3A_664 = tpu.memref_squeeze %dma_wait3A_663 : memref<1x1x64x128xf32, #tpu.memory_space<vmem>> -> memref<64x128xf32, #tpu.memory_space<vmem>>
      %dma_wait3A_665 = arith.constant 0 : i32
      %dma_wait3A_666 = tpu.memref_slice %arg5[%dma_wait3A_658, %dma_wait3A_665] : memref<4x6656xi32, #tpu.memory_space<vmem>> -> memref<1x64xi32, #tpu.memory_space<vmem>>
      %dma_wait3A_667 = tpu.memref_squeeze %dma_wait3A_666 : memref<1x64xi32, #tpu.memory_space<vmem>> -> memref<64xi32, #tpu.memory_space<vmem>>
      %dma_wait3A_668 = arith.constant 0 : i32
      %dma_wait3A_669 = arith.constant 0 : i32
      %dma_wait3A_670 = tpu.memref_slice %arg2[%dma_wait3A_668, %dma_wait3A_669] : memref<1000000x128xf32, #tpu.memory_space<hbm>> -> memref<1000000x128xf32, #tpu.memory_space<hbm>>
      tpu.wait_indirect_dma semaphore(%arg7 : memref<!tpu.dma_semaphore, #tpu.memory_space<semaphore_mem>>) src(%dma_wait3A_670 : memref<1000000x128xf32, #tpu.memory_space<hbm>>) dst(%dma_wait3A_664 : memref<64x128xf32, #tpu.memory_space<vmem>>)
      %jit3A_671 = arith.constant 2 : i32
      %div3A_672 = arith.divsi %mul3A_2, %jit3A_671 : i32
      %sign3A_673 = arith.constant 0 : i32
      %sign3A_674 = arith.cmpi sgt, %mul3A_2, %sign3A_673 : i32
      %sign3A_675 = arith.extui %sign3A_674 : i1 to i32
      %sign3A_676 = arith.constant 0 : i32
      %sign3A_677 = arith.cmpi slt, %mul3A_2, %sign3A_676 : i32
      %sign3A_678 = arith.extui %sign3A_677 : i1 to i32
      %sign3A_679 = arith.subi %sign3A_675, %sign3A_678 : i32
      %sign3A_680 = arith.constant 0 : i32
      %sign3A_681 = arith.cmpi sgt, %jit3A_671, %sign3A_680 : i32
      %sign3A_682 = arith.extui %sign3A_681 : i1 to i32
      %sign3A_683 = arith.constant 0 : i32
      %sign3A_684 = arith.cmpi slt, %jit3A_671, %sign3A_683 : i32
      %sign3A_685 = arith.extui %sign3A_684 : i1 to i32
      %sign3A_686 = arith.subi %sign3A_682, %sign3A_685 : i32
      %ne3A_687 = arith.cmpi ne, %sign3A_679, %sign3A_686 : i32
      %rem3A_688 = arith.remsi %mul3A_2, %jit3A_671 : i32
      %ne3A_689 = arith.constant 0 : i32
      %ne3A_690 = arith.cmpi ne, %rem3A_688, %ne3A_689 : i32
      %and3A_691 = arith.andi %ne3A_687, %ne3A_690 : i1
      %sub3A_692 = arith.constant 1 : i32
      %sub3A_693 = arith.subi %div3A_672, %sub3A_692 : i32
      %select_n3A_694 = arith.select %and3A_691, %sub3A_693, %div3A_672 : i32
      %mul3A_695 = arith.constant 64 : i32
      %mul3A_696 = arith.muli %add3A_644, %mul3A_695 : i32
      %add3A_697 = arith.addi %select_n3A_694, %mul3A_696 : i32
      %run_scoped3A_698 = arith.constant 3 : i32
      %run_scoped3A_699 = arith.constant 0 : i32
      "tpu.region"() ({
        %run_scoped3A_709 = tpu.sem_alloc : memref<!tpu.dma_semaphore, #tpu.memory_space<semaphore_mem>>
        %dma_start3A_710 = arith.constant 0 : i32
        %dma_start3A_711 = arith.constant 0 : i32
        %dma_start3A_712 = tpu.memref_slice %arg6[%run_scoped3A_698, %run_scoped3A_699, %dma_start3A_710, %dma_start3A_711] : memref<4x2x64x128xf32, #tpu.memory_space<vmem>> -> memref<1x1x64x128xf32, #tpu.memory_space<vmem>>
        %dma_start3A_713 = tpu.memref_squeeze %dma_start3A_712 : memref<1x1x64x128xf32, #tpu.memory_space<vmem>> -> memref<64x128xf32, #tpu.memory_space<vmem>>
        %dma_start3A_714 = arith.constant 0 : i32
        %dma_start3A_715 = arith.constant 0 : i32
        %dma_start3A_716 = tpu.memref_slice %dma_start3A_713[%dma_start3A_714, %dma_start3A_715] : memref<64x128xf32, #tpu.memory_space<vmem>> -> memref<64x64xf32, #tpu.memory_space<vmem>>
        %dma_start3A_717 = arith.constant 0 : i32
        %dma_start3A_718 = tpu.memref_slice %arg4[%add3A_697, %dma_start3A_717] : memref<212992x128xf32, #tpu.memory_space<hbm>> -> memref<64x64xf32, #tpu.memory_space<hbm>>
        %dma_start3A_719 = arith.constant 0 : i32
        %dma_start3A_720 = tpu.memref_slice %arg4[%add3A_697, %dma_start3A_719] : memref<212992x128xf32, #tpu.memory_space<hbm>> -> memref<64x64xf32, #tpu.memory_space<hbm>>
        %dma_start3A_721 = arith.constant 0 : i32
        %dma_start3A_722 = arith.constant 0 : i32
        %dma_start3A_723 = tpu.memref_slice %arg6[%run_scoped3A_698, %run_scoped3A_699, %dma_start3A_721, %dma_start3A_722] : memref<4x2x64x128xf32, #tpu.memory_space<vmem>> -> memref<1x1x64x128xf32, #tpu.memory_space<vmem>>
        %dma_start3A_724 = tpu.memref_squeeze %dma_start3A_723 : memref<1x1x64x128xf32, #tpu.memory_space<vmem>> -> memref<64x128xf32, #tpu.memory_space<vmem>>
        %dma_start3A_725 = arith.constant 0 : i32
        %dma_start3A_726 = arith.constant 0 : i32
        %dma_start3A_727 = tpu.memref_slice %dma_start3A_724[%dma_start3A_725, %dma_start3A_726] : memref<64x128xf32, #tpu.memory_space<vmem>> -> memref<64x64xf32, #tpu.memory_space<vmem>>
        tpu.enqueue_dma source(%dma_start3A_727 : memref<64x64xf32, #tpu.memory_space<vmem>>) target(%dma_start3A_720 : memref<64x64xf32, #tpu.memory_space<hbm>>) target_semaphore(%run_scoped3A_709 : memref<!tpu.dma_semaphore, #tpu.memory_space<semaphore_mem>>)
        %dma_wait3A_728 = arith.constant 0 : i32
        %dma_wait3A_729 = arith.constant 0 : i32
        %dma_wait3A_730 = tpu.memref_slice %arg6[%run_scoped3A_698, %run_scoped3A_699, %dma_wait3A_728, %dma_wait3A_729] : memref<4x2x64x128xf32, #tpu.memory_space<vmem>> -> memref<1x1x64x128xf32, #tpu.memory_space<vmem>>
        %dma_wait3A_731 = tpu.memref_squeeze %dma_wait3A_730 : memref<1x1x64x128xf32, #tpu.memory_space<vmem>> -> memref<64x128xf32, #tpu.memory_space<vmem>>
        %dma_wait3A_732 = arith.constant 0 : i32
        %dma_wait3A_733 = arith.constant 0 : i32
        %dma_wait3A_734 = tpu.memref_slice %dma_wait3A_731[%dma_wait3A_732, %dma_wait3A_733] : memref<64x128xf32, #tpu.memory_space<vmem>> -> memref<64x64xf32, #tpu.memory_space<vmem>>
        %dma_wait3A_735 = arith.constant 0 : i32
        %dma_wait3A_736 = tpu.memref_slice %arg4[%add3A_697, %dma_wait3A_735] : memref<212992x128xf32, #tpu.memory_space<hbm>> -> memref<64x64xf32, #tpu.memory_space<hbm>>
        %dma_wait3A_737 = arith.constant 0 : i32
        %dma_wait3A_738 = tpu.memref_slice %arg4[%add3A_697, %dma_wait3A_737] : memref<212992x128xf32, #tpu.memory_space<hbm>> -> memref<64x64xf32, #tpu.memory_space<hbm>>
        %dma_wait3A_739 = arith.constant 0 : i32
        %dma_wait3A_740 = arith.constant 0 : i32
        %dma_wait3A_741 = tpu.memref_slice %arg6[%run_scoped3A_698, %run_scoped3A_699, %dma_wait3A_739, %dma_wait3A_740] : memref<4x2x64x128xf32, #tpu.memory_space<vmem>> -> memref<1x1x64x128xf32, #tpu.memory_space<vmem>>
        %dma_wait3A_742 = tpu.memref_squeeze %dma_wait3A_741 : memref<1x1x64x128xf32, #tpu.memory_space<vmem>> -> memref<64x128xf32, #tpu.memory_space<vmem>>
        %dma_wait3A_743 = arith.constant 0 : i32
        %dma_wait3A_744 = arith.constant 0 : i32
        %dma_wait3A_745 = tpu.memref_slice %dma_wait3A_742[%dma_wait3A_743, %dma_wait3A_744] : memref<64x128xf32, #tpu.memory_space<vmem>> -> memref<64x64xf32, #tpu.memory_space<vmem>>
        tpu.wait_dma2 semaphore(%run_scoped3A_709 : memref<!tpu.dma_semaphore, #tpu.memory_space<semaphore_mem>>) src(%dma_wait3A_745 : memref<64x64xf32, #tpu.memory_space<vmem>>) dst(%dma_wait3A_738 : memref<64x64xf32, #tpu.memory_space<hbm>>)
        tpu.yield
      }) : () -> ()
      %run_scoped3A_700 = arith.constant 3 : i32
      %run_scoped3A_701 = arith.constant 1 : i32
      "tpu.region"() ({
        %run_scoped3A_709 = tpu.sem_alloc : memref<!tpu.dma_semaphore, #tpu.memory_space<semaphore_mem>>
        %dma_start3A_710 = arith.constant 0 : i32
        %dma_start3A_711 = arith.constant 0 : i32
        %dma_start3A_712 = tpu.memref_slice %arg6[%run_scoped3A_700, %run_scoped3A_701, %dma_start3A_710, %dma_start3A_711] : memref<4x2x64x128xf32, #tpu.memory_space<vmem>> -> memref<1x1x64x128xf32, #tpu.memory_space<vmem>>
        %dma_start3A_713 = tpu.memref_squeeze %dma_start3A_712 : memref<1x1x64x128xf32, #tpu.memory_space<vmem>> -> memref<64x128xf32, #tpu.memory_space<vmem>>
        %dma_start3A_714 = arith.constant 0 : i32
        %dma_start3A_715 = arith.constant 0 : i32
        %dma_start3A_716 = tpu.memref_slice %dma_start3A_713[%dma_start3A_714, %dma_start3A_715] : memref<64x128xf32, #tpu.memory_space<vmem>> -> memref<64x64xf32, #tpu.memory_space<vmem>>
        %dma_start3A_717 = arith.constant 64 : i32
        %dma_start3A_718 = tpu.memref_slice %arg4[%add3A_697, %dma_start3A_717] : memref<212992x128xf32, #tpu.memory_space<hbm>> -> memref<64x64xf32, #tpu.memory_space<hbm>>
        %dma_start3A_719 = arith.constant 64 : i32
        %dma_start3A_720 = tpu.memref_slice %arg4[%add3A_697, %dma_start3A_719] : memref<212992x128xf32, #tpu.memory_space<hbm>> -> memref<64x64xf32, #tpu.memory_space<hbm>>
        %dma_start3A_721 = arith.constant 0 : i32
        %dma_start3A_722 = arith.constant 0 : i32
        %dma_start3A_723 = tpu.memref_slice %arg6[%run_scoped3A_700, %run_scoped3A_701, %dma_start3A_721, %dma_start3A_722] : memref<4x2x64x128xf32, #tpu.memory_space<vmem>> -> memref<1x1x64x128xf32, #tpu.memory_space<vmem>>
        %dma_start3A_724 = tpu.memref_squeeze %dma_start3A_723 : memref<1x1x64x128xf32, #tpu.memory_space<vmem>> -> memref<64x128xf32, #tpu.memory_space<vmem>>
        %dma_start3A_725 = arith.constant 0 : i32
        %dma_start3A_726 = arith.constant 0 : i32
        %dma_start3A_727 = tpu.memref_slice %dma_start3A_724[%dma_start3A_725, %dma_start3A_726] : memref<64x128xf32, #tpu.memory_space<vmem>> -> memref<64x64xf32, #tpu.memory_space<vmem>>
        tpu.enqueue_dma source(%dma_start3A_727 : memref<64x64xf32, #tpu.memory_space<vmem>>) target(%dma_start3A_720 : memref<64x64xf32, #tpu.memory_space<hbm>>) target_semaphore(%run_scoped3A_709 : memref<!tpu.dma_semaphore, #tpu.memory_space<semaphore_mem>>)
        %dma_wait3A_728 = arith.constant 0 : i32
        %dma_wait3A_729 = arith.constant 0 : i32
        %dma_wait3A_730 = tpu.memref_slice %arg6[%run_scoped3A_700, %run_scoped3A_701, %dma_wait3A_728, %dma_wait3A_729] : memref<4x2x64x128xf32, #tpu.memory_space<vmem>> -> memref<1x1x64x128xf32, #tpu.memory_space<vmem>>
        %dma_wait3A_731 = tpu.memref_squeeze %dma_wait3A_730 : memref<1x1x64x128xf32, #tpu.memory_space<vmem>> -> memref<64x128xf32, #tpu.memory_space<vmem>>
        %dma_wait3A_732 = arith.constant 0 : i32
        %dma_wait3A_733 = arith.constant 0 : i32
        %dma_wait3A_734 = tpu.memref_slice %dma_wait3A_731[%dma_wait3A_732, %dma_wait3A_733] : memref<64x128xf32, #tpu.memory_space<vmem>> -> memref<64x64xf32, #tpu.memory_space<vmem>>
        %dma_wait3A_735 = arith.constant 64 : i32
        %dma_wait3A_736 = tpu.memref_slice %arg4[%add3A_697, %dma_wait3A_735] : memref<212992x128xf32, #tpu.memory_space<hbm>> -> memref<64x64xf32, #tpu.memory_space<hbm>>
        %dma_wait3A_737 = arith.constant 64 : i32
        %dma_wait3A_738 = tpu.memref_slice %arg4[%add3A_697, %dma_wait3A_737] : memref<212992x128xf32, #tpu.memory_space<hbm>> -> memref<64x64xf32, #tpu.memory_space<hbm>>
        %dma_wait3A_739 = arith.constant 0 : i32
        %dma_wait3A_740 = arith.constant 0 : i32
        %dma_wait3A_741 = tpu.memref_slice %arg6[%run_scoped3A_700, %run_scoped3A_701, %dma_wait3A_739, %dma_wait3A_740] : memref<4x2x64x128xf32, #tpu.memory_space<vmem>> -> memref<1x1x64x128xf32, #tpu.memory_space<vmem>>
        %dma_wait3A_742 = tpu.memref_squeeze %dma_wait3A_741 : memref<1x1x64x128xf32, #tpu.memory_space<vmem>> -> memref<64x128xf32, #tpu.memory_space<vmem>>
        %dma_wait3A_743 = arith.constant 0 : i32
        %dma_wait3A_744 = arith.constant 0 : i32
        %dma_wait3A_745 = tpu.memref_slice %dma_wait3A_742[%dma_wait3A_743, %dma_wait3A_744] : memref<64x128xf32, #tpu.memory_space<vmem>> -> memref<64x64xf32, #tpu.memory_space<vmem>>
        tpu.wait_dma2 semaphore(%run_scoped3A_709 : memref<!tpu.dma_semaphore, #tpu.memory_space<semaphore_mem>>) src(%dma_wait3A_745 : memref<64x64xf32, #tpu.memory_space<vmem>>) dst(%dma_wait3A_738 : memref<64x64xf32, #tpu.memory_space<hbm>>)
        tpu.yield
      }) : () -> ()
      %add3A_702 = arith.constant 1 : i32
      %add3A_703 = arith.addi %scan3A_440, %add3A_702 : i32
      %lt3A_704 = arith.constant 26 : i32
      %lt3A_705 = arith.cmpi slt, %add3A_703, %lt3A_704 : i32
      %convert_element_type3A_706 = arith.extui %lt3A_705 : i1 to i32
      %cond3A_707 = arith.constant 0 : i32
      %cond3A_708 = arith.cmpi ne, %convert_element_type3A_706, %cond3A_707 : i32
      scf.if %cond3A_708 {
        %add3A_709 = arith.constant 4 : i32
        %add3A_710 = arith.addi %add3A_644, %add3A_709 : i32
        %mul3A_711 = arith.constant 128 : i32
        %mul3A_712 = arith.muli %add3A_710, %mul3A_711 : i32
        %add3A_713 = arith.addi %mul3A_2, %mul3A_712 : i32
        %jit3A_714 = arith.constant 32768 : i32
        %div3A_715 = arith.divsi %add3A_713, %jit3A_714 : i32
        %sign3A_716 = arith.constant 0 : i32
        %sign3A_717 = arith.cmpi sgt, %add3A_713, %sign3A_716 : i32
        %sign3A_718 = arith.extui %sign3A_717 : i1 to i32
        %sign3A_719 = arith.constant 0 : i32
        %sign3A_720 = arith.cmpi slt, %add3A_713, %sign3A_719 : i32
        %sign3A_721 = arith.extui %sign3A_720 : i1 to i32
        %sign3A_722 = arith.subi %sign3A_718, %sign3A_721 : i32
        %sign3A_723 = arith.constant 0 : i32
        %sign3A_724 = arith.cmpi sgt, %jit3A_714, %sign3A_723 : i32
        %sign3A_725 = arith.extui %sign3A_724 : i1 to i32
        %sign3A_726 = arith.constant 0 : i32
        %sign3A_727 = arith.cmpi slt, %jit3A_714, %sign3A_726 : i32
        %sign3A_728 = arith.extui %sign3A_727 : i1 to i32
        %sign3A_729 = arith.subi %sign3A_725, %sign3A_728 : i32
        %ne3A_730 = arith.cmpi ne, %sign3A_722, %sign3A_729 : i32
        %rem3A_731 = arith.remsi %add3A_713, %jit3A_714 : i32
        %ne3A_732 = arith.constant 0 : i32
        %ne3A_733 = arith.cmpi ne, %rem3A_731, %ne3A_732 : i32
        %and3A_734 = arith.andi %ne3A_730, %ne3A_733 : i1
        %sub3A_735 = arith.constant 1 : i32
        %sub3A_736 = arith.subi %div3A_715, %sub3A_735 : i32
        %select_n3A_737 = arith.select %and3A_734, %sub3A_736, %div3A_715 : i32
        %mul3A_738 = arith.constant 32768 : i32
        %mul3A_739 = arith.muli %select_n3A_737, %mul3A_738 : i32
        %sub3A_740 = arith.subi %add3A_713, %mul3A_739 : i32
        %jit3A_741 = arith.constant 2 : i32
        %div3A_742 = arith.divsi %sub3A_740, %jit3A_741 : i32
        %sign3A_743 = arith.constant 0 : i32
        %sign3A_744 = arith.cmpi sgt, %sub3A_740, %sign3A_743 : i32
        %sign3A_745 = arith.extui %sign3A_744 : i1 to i32
        %sign3A_746 = arith.constant 0 : i32
        %sign3A_747 = arith.cmpi slt, %sub3A_740, %sign3A_746 : i32
        %sign3A_748 = arith.extui %sign3A_747 : i1 to i32
        %sign3A_749 = arith.subi %sign3A_745, %sign3A_748 : i32
        %sign3A_750 = arith.constant 0 : i32
        %sign3A_751 = arith.cmpi sgt, %jit3A_741, %sign3A_750 : i32
        %sign3A_752 = arith.extui %sign3A_751 : i1 to i32
        %sign3A_753 = arith.constant 0 : i32
        %sign3A_754 = arith.cmpi slt, %jit3A_741, %sign3A_753 : i32
        %sign3A_755 = arith.extui %sign3A_754 : i1 to i32
        %sign3A_756 = arith.subi %sign3A_752, %sign3A_755 : i32
        %ne3A_757 = arith.cmpi ne, %sign3A_749, %sign3A_756 : i32
        %rem3A_758 = arith.remsi %sub3A_740, %jit3A_741 : i32
        %ne3A_759 = arith.constant 0 : i32
        %ne3A_760 = arith.cmpi ne, %rem3A_758, %ne3A_759 : i32
        %and3A_761 = arith.andi %ne3A_757, %ne3A_760 : i1
        %sub3A_762 = arith.constant 1 : i32
        %sub3A_763 = arith.subi %div3A_742, %sub3A_762 : i32
        %select_n3A_764 = arith.select %and3A_761, %sub3A_763, %div3A_742 : i32
        %eq3A_765 = arith.cmpi eq, %select_n3A_737, %select_n3A : i32
        %jit3A_766 = arith.constant 0 : i32
        %select_n3A_767 = arith.select %eq3A_765, %select_n3A_73, %jit3A_766 : i32
        %sub3A_768 = arith.subi %select_n3A_764, %select_n3A_767 : i32
        %multiple_of3A_769 = tpu.assume_multiple %sub3A_768, 8 : i32
        %eq3A_770 = arith.cmpi eq, %select_n3A_737, %select_n3A : i32
        %jit3A_771 = arith.constant 0 : i32
        %jit3A_772 = arith.constant 2 : i32
        %select_n3A_773 = arith.select %eq3A_770, %jit3A_771, %jit3A_772 : i32
        %add3A_774 = arith.constant 1 : i32
        %add3A_775 = arith.addi %select_n3A_773, %add3A_774 : i32
        %dma_start3A_776 = arith.constant 3 : i32
        %dma_start3A_777 = arith.constant 0 : i32
        %dma_start3A_778 = arith.constant 0 : i32
        %dma_start3A_779 = arith.constant 0 : i32
        %dma_start3A_780 = tpu.memref_slice %arg6[%dma_start3A_776, %dma_start3A_777, %dma_start3A_778, %dma_start3A_779] : memref<4x2x64x128xf32, #tpu.memory_space<vmem>> -> memref<1x1x64x128xf32, #tpu.memory_space<vmem>>
        %dma_start3A_781 = tpu.memref_squeeze %dma_start3A_780 : memref<1x1x64x128xf32, #tpu.memory_space<vmem>> -> memref<64x128xf32, #tpu.memory_space<vmem>>
        %dma_start3A_782 = tpu.memref_slice %arg5[%select_n3A_773, %multiple_of3A_769] : memref<4x6656xi32, #tpu.memory_space<vmem>> -> memref<1x64xi32, #tpu.memory_space<vmem>>
        %dma_start3A_783 = tpu.memref_squeeze %dma_start3A_782 : memref<1x64xi32, #tpu.memory_space<vmem>> -> memref<64xi32, #tpu.memory_space<vmem>>
        %dma_start3A_784 = arith.constant 0 : i32
        %dma_start3A_785 = arith.constant 0 : i32
        %dma_start3A_786 = tpu.memref_slice %arg2[%dma_start3A_784, %dma_start3A_785] : memref<1000000x128xf32, #tpu.memory_space<hbm>> -> memref<1000000x128xf32, #tpu.memory_space<hbm>>
        tpu.enqueue_indirect_dma source(%dma_start3A_786 : memref<1000000x128xf32, #tpu.memory_space<hbm>>) target(%dma_start3A_781 : memref<64x128xf32, #tpu.memory_space<vmem>>) offsets(%dma_start3A_783 : memref<64xi32, #tpu.memory_space<vmem>>) semaphore(%arg7 : memref<!tpu.dma_semaphore, #tpu.memory_space<semaphore_mem>>)
        %dma_start3A_787 = arith.constant 3 : i32
        %dma_start3A_788 = arith.constant 1 : i32
        %dma_start3A_789 = arith.constant 0 : i32
        %dma_start3A_790 = arith.constant 0 : i32
        %dma_start3A_791 = tpu.memref_slice %arg6[%dma_start3A_787, %dma_start3A_788, %dma_start3A_789, %dma_start3A_790] : memref<4x2x64x128xf32, #tpu.memory_space<vmem>> -> memref<1x1x64x128xf32, #tpu.memory_space<vmem>>
        %dma_start3A_792 = tpu.memref_squeeze %dma_start3A_791 : memref<1x1x64x128xf32, #tpu.memory_space<vmem>> -> memref<64x128xf32, #tpu.memory_space<vmem>>
        %dma_start3A_793 = tpu.memref_slice %arg5[%add3A_775, %multiple_of3A_769] : memref<4x6656xi32, #tpu.memory_space<vmem>> -> memref<1x64xi32, #tpu.memory_space<vmem>>
        %dma_start3A_794 = tpu.memref_squeeze %dma_start3A_793 : memref<1x64xi32, #tpu.memory_space<vmem>> -> memref<64xi32, #tpu.memory_space<vmem>>
        %dma_start3A_795 = arith.constant 0 : i32
        %dma_start3A_796 = arith.constant 0 : i32
        %dma_start3A_797 = tpu.memref_slice %arg2[%dma_start3A_795, %dma_start3A_796] : memref<1000000x128xf32, #tpu.memory_space<hbm>> -> memref<1000000x128xf32, #tpu.memory_space<hbm>>
        tpu.enqueue_indirect_dma source(%dma_start3A_797 : memref<1000000x128xf32, #tpu.memory_space<hbm>>) target(%dma_start3A_792 : memref<64x128xf32, #tpu.memory_space<vmem>>) offsets(%dma_start3A_794 : memref<64xi32, #tpu.memory_space<vmem>>) semaphore(%arg7 : memref<!tpu.dma_semaphore, #tpu.memory_space<semaphore_mem>>)
      } else {
      }
    }
    %scan3A_439 = arith.constant 26 : i32
    return
  }
}

module attributes {stable_mosaic.version = 14 : i64} {
  func.func @_tpose_body(%arg0: i32, %arg1: memref<64x16384xf32, #tpu.memory_space<vmem>>, %arg2: memref<64x128xf32, #tpu.memory_space<vmem>>, %arg3: memref<16384x128xf32, #tpu.memory_space<vmem>>) attributes {dimension_semantics = [#tpu.dimension_semantics<arbitrary>], iteration_bounds = array<i64: 62>, scalar_prefetch = 0 : i64, scratch_operands = 0 : i64, tpu.core_type = #tpu.core_type<tc>, window_params = [{transform_indices = @transform_0, window_bounds = array<i64: 64, 16384>}, {pipeline_mode = #tpu.pipeline_mode<synchronous>, transform_indices = @transform_1, window_bounds = array<i64: 64, 128>}, {transform_indices = @transform_2, window_bounds = array<i64: 16384, 128>}]} {
    %get3A = arith.constant 0 : index
    %get3A_0 = arith.constant 0 : index
    %get3A_1 = vector.load %arg1[%get3A, %get3A_0] : memref<64x16384xf32, #tpu.memory_space<vmem>>, vector<64x16384xf32>
    %get3A_2 = arith.constant 0 : index
    %get3A_3 = arith.constant 0 : index
    %get3A_4 = vector.load %arg2[%get3A_2, %get3A_3] : memref<64x128xf32, #tpu.memory_space<vmem>>, vector<64x128xf32>
    %dot_general3A = arith.constant dense<0.000000e+00> : vector<16384x128xf32>
    %dot_general3A_5 = tpu.matmul %get3A_1, %get3A_4, %dot_general3A {dimension_numbers = #tpu.dot_dimension_numbers<[0], [0], [1], [1], [0, 1, 1, 1], [], []>, transpose_lhs_hint = false} : vector<64x16384xf32>, vector<64x128xf32>, vector<16384x128xf32> -> vector<16384x128xf32>
    %swap3A = arith.constant 0 : index
    %swap3A_6 = arith.constant 0 : index
    %swap3A_7 = vector.load %arg3[%swap3A, %swap3A_6] : memref<16384x128xf32, #tpu.memory_space<vmem>>, vector<16384x128xf32>
    tpu.vector_store %arg3[%swap3A, %swap3A_6], %dot_general3A_5 {strides = array<i32>} : memref<16384x128xf32, #tpu.memory_space<vmem>>, vector<16384x128xf32>,
    return
  }
  func.func @transform_0(%arg0: i32) -> (i32, i32) {
    %c0_i32 = arith.constant 0 : i32
    %c0_i32_0 = arith.constant 0 : i32
    return %c0_i32, %arg0 : i32, i32
  }
  func.func @transform_1(%arg0: i32) -> (i32, i32) {
    %c0_i32 = arith.constant 0 : i32
    %c0_i32_0 = arith.constant 0 : i32
    %c0_i32_1 = arith.constant 0 : i32
    return %c0_i32, %c0_i32_0 : i32, i32
  }
  func.func @transform_2(%arg0: i32) -> (i32, i32) {
    %c0_i32 = arith.constant 0 : i32
    %c0_i32_0 = arith.constant 0 : i32
    return %arg0, %c0_i32 : i32, i32
  }
}

module attributes {stable_mosaic.version = 14 : i64} {
  func.func @_mlp_body(%arg0: i32, %arg1: memref<1024x13xf32, #tpu.memory_space<vmem>>, %arg2: memref<13x1024x128xf32, #tpu.memory_space<vmem>>, %arg3: memref<13x256xf32, #tpu.memory_space<vmem>>, %arg4: memref<1x256xf32, #tpu.memory_space<vmem>>, %arg5: memref<256x256xf32, #tpu.memory_space<vmem>>, %arg6: memref<1x256xf32, #tpu.memory_space<vmem>>, %arg7: memref<256x256xf32, #tpu.memory_space<vmem>>, %arg8: memref<1x256xf32, #tpu.memory_space<vmem>>, %arg9: memref<256x256xf32, #tpu.memory_space<vmem>>, %arg10: memref<13x128x256xf32, #tpu.memory_space<vmem>>, %arg11: memref<1x256xf32, #tpu.memory_space<vmem>>, %arg12: memref<256x256xf32, #tpu.memory_space<vmem>>, %arg13: memref<1x256xf32, #tpu.memory_space<vmem>>, %arg14: memref<256x256xf32, #tpu.memory_space<vmem>>, %arg15: memref<1x256xf32, #tpu.memory_space<vmem>>, %arg16: memref<256x256xf32, #tpu.memory_space<vmem>>, %arg17: memref<1x256xf32, #tpu.memory_space<vmem>>, %arg18: memref<256x1xf32, #tpu.memory_space<vmem>>, %arg19: memref<1x1xf32, #tpu.memory_space<vmem>>, %arg20: memref<1024x1xf32, #tpu.memory_space<vmem>>) attributes {dimension_semantics = [#tpu.dimension_semantics<arbitrary>], iteration_bounds = array<i64: 16>, scalar_prefetch = 0 : i64, scratch_operands = 0 : i64, tpu.core_type = #tpu.core_type<tc>, window_params = [{transform_indices = @transform_0, window_bounds = array<i64: 1024, 13>}, {transform_indices = @transform_1, window_bounds = array<i64: 13, 1024, 128>}, {pipeline_mode = #tpu.pipeline_mode<synchronous>, transform_indices = @transform_2, window_bounds = array<i64: 13, 256>}, {pipeline_mode = #tpu.pipeline_mode<synchronous>, transform_indices = @transform_3, window_bounds = array<i64: 1, 256>}, {pipeline_mode = #tpu.pipeline_mode<synchronous>, transform_indices = @transform_4, window_bounds = array<i64: 256, 256>}, {pipeline_mode = #tpu.pipeline_mode<synchronous>, transform_indices = @transform_5, window_bounds = array<i64: 1, 256>}, {pipeline_mode = #tpu.pipeline_mode<synchronous>, transform_indices = @transform_6, window_bounds = array<i64: 256, 256>}, {pipeline_mode = #tpu.pipeline_mode<synchronous>, transform_indices = @transform_7, window_bounds = array<i64: 1, 256>}, {pipeline_mode = #tpu.pipeline_mode<synchronous>, transform_indices = @transform_8, window_bounds = array<i64: 256, 256>}, {pipeline_mode = #tpu.pipeline_mode<synchronous>, transform_indices = @transform_9, window_bounds = array<i64: 13, 128, 256>}, {pipeline_mode = #tpu.pipeline_mode<synchronous>, transform_indices = @transform_10, window_bounds = array<i64: 1, 256>}, {pipeline_mode = #tpu.pipeline_mode<synchronous>, transform_indices = @transform_11, window_bounds = array<i64: 256, 256>}, {pipeline_mode = #tpu.pipeline_mode<synchronous>, transform_indices = @transform_12, window_bounds = array<i64: 1, 256>}, {pipeline_mode = #tpu.pipeline_mode<synchronous>, transform_indices = @transform_13, window_bounds = array<i64: 256, 256>}, {pipeline_mode = #tpu.pipeline_mode<synchronous>, transform_indices = @transform_14, window_bounds = array<i64: 1, 256>}, {pipeline_mode = #tpu.pipeline_mode<synchronous>, transform_indices = @transform_15, window_bounds = array<i64: 256, 256>}, {pipeline_mode = #tpu.pipeline_mode<synchronous>, transform_indices = @transform_16, window_bounds = array<i64: 1, 256>}, {pipeline_mode = #tpu.pipeline_mode<synchronous>, transform_indices = @transform_17, window_bounds = array<i64: 256, 1>}, {pipeline_mode = #tpu.pipeline_mode<synchronous>, transform_indices = @transform_18, window_bounds = array<i64: 1, 1>}, {transform_indices = @transform_19, window_bounds = array<i64: 1024, 1>}]} {
    %get3A = arith.constant 0 : index
    %get3A_0 = arith.constant 0 : index
    %get3A_1 = vector.load %arg1[%get3A, %get3A_0] : memref<1024x13xf32, #tpu.memory_space<vmem>>, vector<1024x13xf32>
    %get3A_2 = arith.constant 0 : index
    %get3A_3 = arith.constant 0 : index
    %get3A_4 = vector.load %arg3[%get3A_2, %get3A_3] : memref<13x256xf32, #tpu.memory_space<vmem>>, vector<13x256xf32>
    %dot_general3A = arith.constant dense<0.000000e+00> : vector<1024x256xf32>
    %dot_general3A_5 = tpu.matmul %get3A_1, %get3A_4, %dot_general3A {dimension_numbers = #tpu.dot_dimension_numbers<[1], [0], [0], [1], [0, 0, 1, 1], [], []>, transpose_lhs_hint = false} : vector<1024x13xf32>, vector<13x256xf32>, vector<1024x256xf32> -> vector<1024x256xf32>
    %get3A_6 = arith.constant 0 : index
    %get3A_7 = arith.constant 0 : index
    %get3A_8 = vector.load %arg4[%get3A_6, %get3A_7] : memref<1x256xf32, #tpu.memory_space<vmem>>, vector<1x256xf32>
    %add3A = vector.broadcast %get3A_8 : vector<1x256xf32> to vector<1024x256xf32>
    %add3A_9 = arith.addf %dot_general3A_5, %add3A : vector<1024x256xf32>
    %max3A = arith.constant 0.000000e+00 : f32
    %max3A_10 = vector.broadcast %max3A : f32 to vector<1024x256xf32>
    %max3A_11 = arith.maximumf %add3A_9, %max3A_10 : vector<1024x256xf32>
    %convert_element_type3A = arith.truncf %max3A_11 : vector<1024x256xf32> to vector<1024x256xbf16>
    %get3A_12 = arith.constant 0 : index
    %get3A_13 = arith.constant 0 : index
    %get3A_14 = vector.load %arg5[%get3A_12, %get3A_13] : memref<256x256xf32, #tpu.memory_space<vmem>>, vector<256x256xf32>
    %convert_element_type3A_15 = arith.truncf %get3A_14 : vector<256x256xf32> to vector<256x256xbf16>
    %dot_general3A_16 = arith.constant dense<0.000000e+00> : vector<1024x256xf32>
    %dot_general3A_17 = tpu.matmul %convert_element_type3A, %convert_element_type3A_15, %dot_general3A_16 {dimension_numbers = #tpu.dot_dimension_numbers<[1], [0], [0], [1], [0, 0, 1, 1], [], []>, transpose_lhs_hint = false} : vector<1024x256xbf16>, vector<256x256xbf16>, vector<1024x256xf32> -> vector<1024x256xf32>
    %get3A_18 = arith.constant 0 : index
    %get3A_19 = arith.constant 0 : index
    %get3A_20 = vector.load %arg6[%get3A_18, %get3A_19] : memref<1x256xf32, #tpu.memory_space<vmem>>, vector<1x256xf32>
    %add3A_21 = vector.broadcast %get3A_20 : vector<1x256xf32> to vector<1024x256xf32>
    %add3A_22 = arith.addf %dot_general3A_17, %add3A_21 : vector<1024x256xf32>
    %max3A_23 = arith.constant 0.000000e+00 : f32
    %max3A_24 = vector.broadcast %max3A_23 : f32 to vector<1024x256xf32>
    %max3A_25 = arith.maximumf %add3A_22, %max3A_24 : vector<1024x256xf32>
    %add3A_26 = arith.addf %max3A_11, %max3A_25 : vector<1024x256xf32>
    %convert_element_type3A_27 = arith.truncf %add3A_26 : vector<1024x256xf32> to vector<1024x256xbf16>
    %get3A_28 = arith.constant 0 : index
    %get3A_29 = arith.constant 0 : index
    %get3A_30 = vector.load %arg7[%get3A_28, %get3A_29] : memref<256x256xf32, #tpu.memory_space<vmem>>, vector<256x256xf32>
    %convert_element_type3A_31 = arith.truncf %get3A_30 : vector<256x256xf32> to vector<256x256xbf16>
    %dot_general3A_32 = arith.constant dense<0.000000e+00> : vector<1024x256xf32>
    %dot_general3A_33 = tpu.matmul %convert_element_type3A_27, %convert_element_type3A_31, %dot_general3A_32 {dimension_numbers = #tpu.dot_dimension_numbers<[1], [0], [0], [1], [0, 0, 1, 1], [], []>, transpose_lhs_hint = false} : vector<1024x256xbf16>, vector<256x256xbf16>, vector<1024x256xf32> -> vector<1024x256xf32>
    %get3A_34 = arith.constant 0 : index
    %get3A_35 = arith.constant 0 : index
    %get3A_36 = vector.load %arg8[%get3A_34, %get3A_35] : memref<1x256xf32, #tpu.memory_space<vmem>>, vector<1x256xf32>
    %add3A_37 = vector.broadcast %get3A_36 : vector<1x256xf32> to vector<1024x256xf32>
    %add3A_38 = arith.addf %dot_general3A_33, %add3A_37 : vector<1024x256xf32>
    %max3A_39 = arith.constant 0.000000e+00 : f32
    %max3A_40 = vector.broadcast %max3A_39 : f32 to vector<1024x256xf32>
    %max3A_41 = arith.maximumf %add3A_38, %max3A_40 : vector<1024x256xf32>
    %add3A_42 = arith.addf %add3A_26, %max3A_41 : vector<1024x256xf32>
    %convert_element_type3A_43 = arith.truncf %add3A_42 : vector<1024x256xf32> to vector<1024x256xbf16>
    %get3A_44 = arith.constant 0 : index
    %get3A_45 = arith.constant 0 : index
    %get3A_46 = vector.load %arg9[%get3A_44, %get3A_45] : memref<256x256xf32, #tpu.memory_space<vmem>>, vector<256x256xf32>
    %convert_element_type3A_47 = arith.truncf %get3A_46 : vector<256x256xf32> to vector<256x256xbf16>
    %dot_general3A_48 = arith.constant dense<0.000000e+00> : vector<1024x256xf32>
    %dot_general3A_49 = tpu.matmul %convert_element_type3A_43, %convert_element_type3A_47, %dot_general3A_48 {dimension_numbers = #tpu.dot_dimension_numbers<[1], [0], [0], [1], [0, 0, 1, 1], [], []>, transpose_lhs_hint = false} : vector<1024x256xbf16>, vector<256x256xbf16>, vector<1024x256xf32> -> vector<1024x256xf32>
    %get3A_50 = arith.constant 0 : index
    %get3A_51 = arith.constant 0 : index
    %get3A_52 = vector.load %arg11[%get3A_50, %get3A_51] : memref<1x256xf32, #tpu.memory_space<vmem>>, vector<1x256xf32>
    %add3A_53 = vector.broadcast %get3A_52 : vector<1x256xf32> to vector<1024x256xf32>
    %add3A_54 = arith.addf %dot_general3A_49, %add3A_53 : vector<1024x256xf32>
    %get3A_55 = arith.constant 0 : index
    %get3A_56 = arith.constant 0 : index
    %get3A_57 = arith.constant 0 : index
    %get3A_58 = vector.load %arg2[%get3A_55, %get3A_56, %get3A_57] : memref<13x1024x128xf32, #tpu.memory_space<vmem>>, vector<1x1024x128xf32>
    %get3A_59 = vector.shape_cast %get3A_58 : vector<1x1024x128xf32> to vector<1024x128xf32>
    %convert_element_type3A_60 = arith.truncf %get3A_59 : vector<1024x128xf32> to vector<1024x128xbf16>
    %get3A_61 = arith.constant 0 : index
    %get3A_62 = arith.constant 0 : index
    %get3A_63 = arith.constant 0 : index
    %get3A_64 = vector.load %arg10[%get3A_61, %get3A_62, %get3A_63] : memref<13x128x256xf32, #tpu.memory_space<vmem>>, vector<1x128x256xf32>
    %get3A_65 = vector.shape_cast %get3A_64 : vector<1x128x256xf32> to vector<128x256xf32>
    %convert_element_type3A_66 = arith.truncf %get3A_65 : vector<128x256xf32> to vector<128x256xbf16>
    %dot_general3A_67 = arith.constant dense<0.000000e+00> : vector<1024x256xf32>
    %dot_general3A_68 = tpu.matmul %convert_element_type3A_60, %convert_element_type3A_66, %dot_general3A_67 {dimension_numbers = #tpu.dot_dimension_numbers<[1], [0], [0], [1], [0, 0, 1, 1], [], []>, transpose_lhs_hint = false} : vector<1024x128xbf16>, vector<128x256xbf16>, vector<1024x256xf32> -> vector<1024x256xf32>
    %add3A_69 = arith.addf %add3A_54, %dot_general3A_68 : vector<1024x256xf32>
    %get3A_70 = arith.constant 1 : index
    %get3A_71 = arith.constant 0 : index
    %get3A_72 = arith.constant 0 : index
    %get3A_73 = vector.load %arg2[%get3A_70, %get3A_71, %get3A_72] : memref<13x1024x128xf32, #tpu.memory_space<vmem>>, vector<1x1024x128xf32>
    %get3A_74 = vector.shape_cast %get3A_73 : vector<1x1024x128xf32> to vector<1024x128xf32>
    %convert_element_type3A_75 = arith.truncf %get3A_74 : vector<1024x128xf32> to vector<1024x128xbf16>
    %get3A_76 = arith.constant 1 : index
    %get3A_77 = arith.constant 0 : index
    %get3A_78 = arith.constant 0 : index
    %get3A_79 = vector.load %arg10[%get3A_76, %get3A_77, %get3A_78] : memref<13x128x256xf32, #tpu.memory_space<vmem>>, vector<1x128x256xf32>
    %get3A_80 = vector.shape_cast %get3A_79 : vector<1x128x256xf32> to vector<128x256xf32>
    %convert_element_type3A_81 = arith.truncf %get3A_80 : vector<128x256xf32> to vector<128x256xbf16>
    %dot_general3A_82 = arith.constant dense<0.000000e+00> : vector<1024x256xf32>
    %dot_general3A_83 = tpu.matmul %convert_element_type3A_75, %convert_element_type3A_81, %dot_general3A_82 {dimension_numbers = #tpu.dot_dimension_numbers<[1], [0], [0], [1], [0, 0, 1, 1], [], []>, transpose_lhs_hint = false} : vector<1024x128xbf16>, vector<128x256xbf16>, vector<1024x256xf32> -> vector<1024x256xf32>
    %add3A_84 = arith.addf %add3A_69, %dot_general3A_83 : vector<1024x256xf32>
    %get3A_85 = arith.constant 2 : index
    %get3A_86 = arith.constant 0 : index
    %get3A_87 = arith.constant 0 : index
    %get3A_88 = vector.load %arg2[%get3A_85, %get3A_86, %get3A_87] : memref<13x1024x128xf32, #tpu.memory_space<vmem>>, vector<1x1024x128xf32>
    %get3A_89 = vector.shape_cast %get3A_88 : vector<1x1024x128xf32> to vector<1024x128xf32>
    %convert_element_type3A_90 = arith.truncf %get3A_89 : vector<1024x128xf32> to vector<1024x128xbf16>
    %get3A_91 = arith.constant 2 : index
    %get3A_92 = arith.constant 0 : index
    %get3A_93 = arith.constant 0 : index
    %get3A_94 = vector.load %arg10[%get3A_91, %get3A_92, %get3A_93] : memref<13x128x256xf32, #tpu.memory_space<vmem>>, vector<1x128x256xf32>
    %get3A_95 = vector.shape_cast %get3A_94 : vector<1x128x256xf32> to vector<128x256xf32>
    %convert_element_type3A_96 = arith.truncf %get3A_95 : vector<128x256xf32> to vector<128x256xbf16>
    %dot_general3A_97 = arith.constant dense<0.000000e+00> : vector<1024x256xf32>
    %dot_general3A_98 = tpu.matmul %convert_element_type3A_90, %convert_element_type3A_96, %dot_general3A_97 {dimension_numbers = #tpu.dot_dimension_numbers<[1], [0], [0], [1], [0, 0, 1, 1], [], []>, transpose_lhs_hint = false} : vector<1024x128xbf16>, vector<128x256xbf16>, vector<1024x256xf32> -> vector<1024x256xf32>
    %add3A_99 = arith.addf %add3A_84, %dot_general3A_98 : vector<1024x256xf32>
    %get3A_100 = arith.constant 3 : index
    %get3A_101 = arith.constant 0 : index
    %get3A_102 = arith.constant 0 : index
    %get3A_103 = vector.load %arg2[%get3A_100, %get3A_101, %get3A_102] : memref<13x1024x128xf32, #tpu.memory_space<vmem>>, vector<1x1024x128xf32>
    %get3A_104 = vector.shape_cast %get3A_103 : vector<1x1024x128xf32> to vector<1024x128xf32>
    %convert_element_type3A_105 = arith.truncf %get3A_104 : vector<1024x128xf32> to vector<1024x128xbf16>
    %get3A_106 = arith.constant 3 : index
    %get3A_107 = arith.constant 0 : index
    %get3A_108 = arith.constant 0 : index
    %get3A_109 = vector.load %arg10[%get3A_106, %get3A_107, %get3A_108] : memref<13x128x256xf32, #tpu.memory_space<vmem>>, vector<1x128x256xf32>
    %get3A_110 = vector.shape_cast %get3A_109 : vector<1x128x256xf32> to vector<128x256xf32>
    %convert_element_type3A_111 = arith.truncf %get3A_110 : vector<128x256xf32> to vector<128x256xbf16>
    %dot_general3A_112 = arith.constant dense<0.000000e+00> : vector<1024x256xf32>
    %dot_general3A_113 = tpu.matmul %convert_element_type3A_105, %convert_element_type3A_111, %dot_general3A_112 {dimension_numbers = #tpu.dot_dimension_numbers<[1], [0], [0], [1], [0, 0, 1, 1], [], []>, transpose_lhs_hint = false} : vector<1024x128xbf16>, vector<128x256xbf16>, vector<1024x256xf32> -> vector<1024x256xf32>
    %add3A_114 = arith.addf %add3A_99, %dot_general3A_113 : vector<1024x256xf32>
    %get3A_115 = arith.constant 4 : index
    %get3A_116 = arith.constant 0 : index
    %get3A_117 = arith.constant 0 : index
    %get3A_118 = vector.load %arg2[%get3A_115, %get3A_116, %get3A_117] : memref<13x1024x128xf32, #tpu.memory_space<vmem>>, vector<1x1024x128xf32>
    %get3A_119 = vector.shape_cast %get3A_118 : vector<1x1024x128xf32> to vector<1024x128xf32>
    %convert_element_type3A_120 = arith.truncf %get3A_119 : vector<1024x128xf32> to vector<1024x128xbf16>
    %get3A_121 = arith.constant 4 : index
    %get3A_122 = arith.constant 0 : index
    %get3A_123 = arith.constant 0 : index
    %get3A_124 = vector.load %arg10[%get3A_121, %get3A_122, %get3A_123] : memref<13x128x256xf32, #tpu.memory_space<vmem>>, vector<1x128x256xf32>
    %get3A_125 = vector.shape_cast %get3A_124 : vector<1x128x256xf32> to vector<128x256xf32>
    %convert_element_type3A_126 = arith.truncf %get3A_125 : vector<128x256xf32> to vector<128x256xbf16>
    %dot_general3A_127 = arith.constant dense<0.000000e+00> : vector<1024x256xf32>
    %dot_general3A_128 = tpu.matmul %convert_element_type3A_120, %convert_element_type3A_126, %dot_general3A_127 {dimension_numbers = #tpu.dot_dimension_numbers<[1], [0], [0], [1], [0, 0, 1, 1], [], []>, transpose_lhs_hint = false} : vector<1024x128xbf16>, vector<128x256xbf16>, vector<1024x256xf32> -> vector<1024x256xf32>
    %add3A_129 = arith.addf %add3A_114, %dot_general3A_128 : vector<1024x256xf32>
    %get3A_130 = arith.constant 5 : index
    %get3A_131 = arith.constant 0 : index
    %get3A_132 = arith.constant 0 : index
    %get3A_133 = vector.load %arg2[%get3A_130, %get3A_131, %get3A_132] : memref<13x1024x128xf32, #tpu.memory_space<vmem>>, vector<1x1024x128xf32>
    %get3A_134 = vector.shape_cast %get3A_133 : vector<1x1024x128xf32> to vector<1024x128xf32>
    %convert_element_type3A_135 = arith.truncf %get3A_134 : vector<1024x128xf32> to vector<1024x128xbf16>
    %get3A_136 = arith.constant 5 : index
    %get3A_137 = arith.constant 0 : index
    %get3A_138 = arith.constant 0 : index
    %get3A_139 = vector.load %arg10[%get3A_136, %get3A_137, %get3A_138] : memref<13x128x256xf32, #tpu.memory_space<vmem>>, vector<1x128x256xf32>
    %get3A_140 = vector.shape_cast %get3A_139 : vector<1x128x256xf32> to vector<128x256xf32>
    %convert_element_type3A_141 = arith.truncf %get3A_140 : vector<128x256xf32> to vector<128x256xbf16>
    %dot_general3A_142 = arith.constant dense<0.000000e+00> : vector<1024x256xf32>
    %dot_general3A_143 = tpu.matmul %convert_element_type3A_135, %convert_element_type3A_141, %dot_general3A_142 {dimension_numbers = #tpu.dot_dimension_numbers<[1], [0], [0], [1], [0, 0, 1, 1], [], []>, transpose_lhs_hint = false} : vector<1024x128xbf16>, vector<128x256xbf16>, vector<1024x256xf32> -> vector<1024x256xf32>
    %add3A_144 = arith.addf %add3A_129, %dot_general3A_143 : vector<1024x256xf32>
    %get3A_145 = arith.constant 6 : index
    %get3A_146 = arith.constant 0 : index
    %get3A_147 = arith.constant 0 : index
    %get3A_148 = vector.load %arg2[%get3A_145, %get3A_146, %get3A_147] : memref<13x1024x128xf32, #tpu.memory_space<vmem>>, vector<1x1024x128xf32>
    %get3A_149 = vector.shape_cast %get3A_148 : vector<1x1024x128xf32> to vector<1024x128xf32>
    %convert_element_type3A_150 = arith.truncf %get3A_149 : vector<1024x128xf32> to vector<1024x128xbf16>
    %get3A_151 = arith.constant 6 : index
    %get3A_152 = arith.constant 0 : index
    %get3A_153 = arith.constant 0 : index
    %get3A_154 = vector.load %arg10[%get3A_151, %get3A_152, %get3A_153] : memref<13x128x256xf32, #tpu.memory_space<vmem>>, vector<1x128x256xf32>
    %get3A_155 = vector.shape_cast %get3A_154 : vector<1x128x256xf32> to vector<128x256xf32>
    %convert_element_type3A_156 = arith.truncf %get3A_155 : vector<128x256xf32> to vector<128x256xbf16>
    %dot_general3A_157 = arith.constant dense<0.000000e+00> : vector<1024x256xf32>
    %dot_general3A_158 = tpu.matmul %convert_element_type3A_150, %convert_element_type3A_156, %dot_general3A_157 {dimension_numbers = #tpu.dot_dimension_numbers<[1], [0], [0], [1], [0, 0, 1, 1], [], []>, transpose_lhs_hint = false} : vector<1024x128xbf16>, vector<128x256xbf16>, vector<1024x256xf32> -> vector<1024x256xf32>
    %add3A_159 = arith.addf %add3A_144, %dot_general3A_158 : vector<1024x256xf32>
    %get3A_160 = arith.constant 7 : index
    %get3A_161 = arith.constant 0 : index
    %get3A_162 = arith.constant 0 : index
    %get3A_163 = vector.load %arg2[%get3A_160, %get3A_161, %get3A_162] : memref<13x1024x128xf32, #tpu.memory_space<vmem>>, vector<1x1024x128xf32>
    %get3A_164 = vector.shape_cast %get3A_163 : vector<1x1024x128xf32> to vector<1024x128xf32>
    %convert_element_type3A_165 = arith.truncf %get3A_164 : vector<1024x128xf32> to vector<1024x128xbf16>
    %get3A_166 = arith.constant 7 : index
    %get3A_167 = arith.constant 0 : index
    %get3A_168 = arith.constant 0 : index
    %get3A_169 = vector.load %arg10[%get3A_166, %get3A_167, %get3A_168] : memref<13x128x256xf32, #tpu.memory_space<vmem>>, vector<1x128x256xf32>
    %get3A_170 = vector.shape_cast %get3A_169 : vector<1x128x256xf32> to vector<128x256xf32>
    %convert_element_type3A_171 = arith.truncf %get3A_170 : vector<128x256xf32> to vector<128x256xbf16>
    %dot_general3A_172 = arith.constant dense<0.000000e+00> : vector<1024x256xf32>
    %dot_general3A_173 = tpu.matmul %convert_element_type3A_165, %convert_element_type3A_171, %dot_general3A_172 {dimension_numbers = #tpu.dot_dimension_numbers<[1], [0], [0], [1], [0, 0, 1, 1], [], []>, transpose_lhs_hint = false} : vector<1024x128xbf16>, vector<128x256xbf16>, vector<1024x256xf32> -> vector<1024x256xf32>
    %add3A_174 = arith.addf %add3A_159, %dot_general3A_173 : vector<1024x256xf32>
    %get3A_175 = arith.constant 8 : index
    %get3A_176 = arith.constant 0 : index
    %get3A_177 = arith.constant 0 : index
    %get3A_178 = vector.load %arg2[%get3A_175, %get3A_176, %get3A_177] : memref<13x1024x128xf32, #tpu.memory_space<vmem>>, vector<1x1024x128xf32>
    %get3A_179 = vector.shape_cast %get3A_178 : vector<1x1024x128xf32> to vector<1024x128xf32>
    %convert_element_type3A_180 = arith.truncf %get3A_179 : vector<1024x128xf32> to vector<1024x128xbf16>
    %get3A_181 = arith.constant 8 : index
    %get3A_182 = arith.constant 0 : index
    %get3A_183 = arith.constant 0 : index
    %get3A_184 = vector.load %arg10[%get3A_181, %get3A_182, %get3A_183] : memref<13x128x256xf32, #tpu.memory_space<vmem>>, vector<1x128x256xf32>
    %get3A_185 = vector.shape_cast %get3A_184 : vector<1x128x256xf32> to vector<128x256xf32>
    %convert_element_type3A_186 = arith.truncf %get3A_185 : vector<128x256xf32> to vector<128x256xbf16>
    %dot_general3A_187 = arith.constant dense<0.000000e+00> : vector<1024x256xf32>
    %dot_general3A_188 = tpu.matmul %convert_element_type3A_180, %convert_element_type3A_186, %dot_general3A_187 {dimension_numbers = #tpu.dot_dimension_numbers<[1], [0], [0], [1], [0, 0, 1, 1], [], []>, transpose_lhs_hint = false} : vector<1024x128xbf16>, vector<128x256xbf16>, vector<1024x256xf32> -> vector<1024x256xf32>
    %add3A_189 = arith.addf %add3A_174, %dot_general3A_188 : vector<1024x256xf32>
    %get3A_190 = arith.constant 9 : index
    %get3A_191 = arith.constant 0 : index
    %get3A_192 = arith.constant 0 : index
    %get3A_193 = vector.load %arg2[%get3A_190, %get3A_191, %get3A_192] : memref<13x1024x128xf32, #tpu.memory_space<vmem>>, vector<1x1024x128xf32>
    %get3A_194 = vector.shape_cast %get3A_193 : vector<1x1024x128xf32> to vector<1024x128xf32>
    %convert_element_type3A_195 = arith.truncf %get3A_194 : vector<1024x128xf32> to vector<1024x128xbf16>
    %get3A_196 = arith.constant 9 : index
    %get3A_197 = arith.constant 0 : index
    %get3A_198 = arith.constant 0 : index
    %get3A_199 = vector.load %arg10[%get3A_196, %get3A_197, %get3A_198] : memref<13x128x256xf32, #tpu.memory_space<vmem>>, vector<1x128x256xf32>
    %get3A_200 = vector.shape_cast %get3A_199 : vector<1x128x256xf32> to vector<128x256xf32>
    %convert_element_type3A_201 = arith.truncf %get3A_200 : vector<128x256xf32> to vector<128x256xbf16>
    %dot_general3A_202 = arith.constant dense<0.000000e+00> : vector<1024x256xf32>
    %dot_general3A_203 = tpu.matmul %convert_element_type3A_195, %convert_element_type3A_201, %dot_general3A_202 {dimension_numbers = #tpu.dot_dimension_numbers<[1], [0], [0], [1], [0, 0, 1, 1], [], []>, transpose_lhs_hint = false} : vector<1024x128xbf16>, vector<128x256xbf16>, vector<1024x256xf32> -> vector<1024x256xf32>
    %add3A_204 = arith.addf %add3A_189, %dot_general3A_203 : vector<1024x256xf32>
    %get3A_205 = arith.constant 10 : index
    %get3A_206 = arith.constant 0 : index
    %get3A_207 = arith.constant 0 : index
    %get3A_208 = vector.load %arg2[%get3A_205, %get3A_206, %get3A_207] : memref<13x1024x128xf32, #tpu.memory_space<vmem>>, vector<1x1024x128xf32>
    %get3A_209 = vector.shape_cast %get3A_208 : vector<1x1024x128xf32> to vector<1024x128xf32>
    %convert_element_type3A_210 = arith.truncf %get3A_209 : vector<1024x128xf32> to vector<1024x128xbf16>
    %get3A_211 = arith.constant 10 : index
    %get3A_212 = arith.constant 0 : index
    %get3A_213 = arith.constant 0 : index
    %get3A_214 = vector.load %arg10[%get3A_211, %get3A_212, %get3A_213] : memref<13x128x256xf32, #tpu.memory_space<vmem>>, vector<1x128x256xf32>
    %get3A_215 = vector.shape_cast %get3A_214 : vector<1x128x256xf32> to vector<128x256xf32>
    %convert_element_type3A_216 = arith.truncf %get3A_215 : vector<128x256xf32> to vector<128x256xbf16>
    %dot_general3A_217 = arith.constant dense<0.000000e+00> : vector<1024x256xf32>
    %dot_general3A_218 = tpu.matmul %convert_element_type3A_210, %convert_element_type3A_216, %dot_general3A_217 {dimension_numbers = #tpu.dot_dimension_numbers<[1], [0], [0], [1], [0, 0, 1, 1], [], []>, transpose_lhs_hint = false} : vector<1024x128xbf16>, vector<128x256xbf16>, vector<1024x256xf32> -> vector<1024x256xf32>
    %add3A_219 = arith.addf %add3A_204, %dot_general3A_218 : vector<1024x256xf32>
    %get3A_220 = arith.constant 11 : index
    %get3A_221 = arith.constant 0 : index
    %get3A_222 = arith.constant 0 : index
    %get3A_223 = vector.load %arg2[%get3A_220, %get3A_221, %get3A_222] : memref<13x1024x128xf32, #tpu.memory_space<vmem>>, vector<1x1024x128xf32>
    %get3A_224 = vector.shape_cast %get3A_223 : vector<1x1024x128xf32> to vector<1024x128xf32>
    %convert_element_type3A_225 = arith.truncf %get3A_224 : vector<1024x128xf32> to vector<1024x128xbf16>
    %get3A_226 = arith.constant 11 : index
    %get3A_227 = arith.constant 0 : index
    %get3A_228 = arith.constant 0 : index
    %get3A_229 = vector.load %arg10[%get3A_226, %get3A_227, %get3A_228] : memref<13x128x256xf32, #tpu.memory_space<vmem>>, vector<1x128x256xf32>
    %get3A_230 = vector.shape_cast %get3A_229 : vector<1x128x256xf32> to vector<128x256xf32>
    %convert_element_type3A_231 = arith.truncf %get3A_230 : vector<128x256xf32> to vector<128x256xbf16>
    %dot_general3A_232 = arith.constant dense<0.000000e+00> : vector<1024x256xf32>
    %dot_general3A_233 = tpu.matmul %convert_element_type3A_225, %convert_element_type3A_231, %dot_general3A_232 {dimension_numbers = #tpu.dot_dimension_numbers<[1], [0], [0], [1], [0, 0, 1, 1], [], []>, transpose_lhs_hint = false} : vector<1024x128xbf16>, vector<128x256xbf16>, vector<1024x256xf32> -> vector<1024x256xf32>
    %add3A_234 = arith.addf %add3A_219, %dot_general3A_233 : vector<1024x256xf32>
    %get3A_235 = arith.constant 12 : index
    %get3A_236 = arith.constant 0 : index
    %get3A_237 = arith.constant 0 : index
    %get3A_238 = vector.load %arg2[%get3A_235, %get3A_236, %get3A_237] : memref<13x1024x128xf32, #tpu.memory_space<vmem>>, vector<1x1024x128xf32>
    %get3A_239 = vector.shape_cast %get3A_238 : vector<1x1024x128xf32> to vector<1024x128xf32>
    %convert_element_type3A_240 = arith.truncf %get3A_239 : vector<1024x128xf32> to vector<1024x128xbf16>
    %get3A_241 = arith.constant 12 : index
    %get3A_242 = arith.constant 0 : index
    %get3A_243 = arith.constant 0 : index
    %get3A_244 = vector.load %arg10[%get3A_241, %get3A_242, %get3A_243] : memref<13x128x256xf32, #tpu.memory_space<vmem>>, vector<1x128x256xf32>
    %get3A_245 = vector.shape_cast %get3A_244 : vector<1x128x256xf32> to vector<128x256xf32>
    %convert_element_type3A_246 = arith.truncf %get3A_245 : vector<128x256xf32> to vector<128x256xbf16>
    %dot_general3A_247 = arith.constant dense<0.000000e+00> : vector<1024x256xf32>
    %dot_general3A_248 = tpu.matmul %convert_element_type3A_240, %convert_element_type3A_246, %dot_general3A_247 {dimension_numbers = #tpu.dot_dimension_numbers<[1], [0], [0], [1], [0, 0, 1, 1], [], []>, transpose_lhs_hint = false} : vector<1024x128xbf16>, vector<128x256xbf16>, vector<1024x256xf32> -> vector<1024x256xf32>
    %add3A_249 = arith.addf %add3A_234, %dot_general3A_248 : vector<1024x256xf32>
    %max3A_250 = arith.constant 0.000000e+00 : f32
    %max3A_251 = vector.broadcast %max3A_250 : f32 to vector<1024x256xf32>
    %max3A_252 = arith.maximumf %add3A_249, %max3A_251 : vector<1024x256xf32>
    %convert_element_type3A_253 = arith.truncf %max3A_252 : vector<1024x256xf32> to vector<1024x256xbf16>
    %get3A_254 = arith.constant 0 : index
    %get3A_255 = arith.constant 0 : index
    %get3A_256 = vector.load %arg12[%get3A_254, %get3A_255] : memref<256x256xf32, #tpu.memory_space<vmem>>, vector<256x256xf32>
    %convert_element_type3A_257 = arith.truncf %get3A_256 : vector<256x256xf32> to vector<256x256xbf16>
    %dot_general3A_258 = arith.constant dense<0.000000e+00> : vector<1024x256xf32>
    %dot_general3A_259 = tpu.matmul %convert_element_type3A_253, %convert_element_type3A_257, %dot_general3A_258 {dimension_numbers = #tpu.dot_dimension_numbers<[1], [0], [0], [1], [0, 0, 1, 1], [], []>, transpose_lhs_hint = false} : vector<1024x256xbf16>, vector<256x256xbf16>, vector<1024x256xf32> -> vector<1024x256xf32>
    %get3A_260 = arith.constant 0 : index
    %get3A_261 = arith.constant 0 : index
    %get3A_262 = vector.load %arg13[%get3A_260, %get3A_261] : memref<1x256xf32, #tpu.memory_space<vmem>>, vector<1x256xf32>
    %add3A_263 = vector.broadcast %get3A_262 : vector<1x256xf32> to vector<1024x256xf32>
    %add3A_264 = arith.addf %dot_general3A_259, %add3A_263 : vector<1024x256xf32>
    %max3A_265 = arith.constant 0.000000e+00 : f32
    %max3A_266 = vector.broadcast %max3A_265 : f32 to vector<1024x256xf32>
    %max3A_267 = arith.maximumf %add3A_264, %max3A_266 : vector<1024x256xf32>
    %add3A_268 = arith.addf %max3A_252, %max3A_267 : vector<1024x256xf32>
    %convert_element_type3A_269 = arith.truncf %add3A_268 : vector<1024x256xf32> to vector<1024x256xbf16>
    %get3A_270 = arith.constant 0 : index
    %get3A_271 = arith.constant 0 : index
    %get3A_272 = vector.load %arg14[%get3A_270, %get3A_271] : memref<256x256xf32, #tpu.memory_space<vmem>>, vector<256x256xf32>
    %convert_element_type3A_273 = arith.truncf %get3A_272 : vector<256x256xf32> to vector<256x256xbf16>
    %dot_general3A_274 = arith.constant dense<0.000000e+00> : vector<1024x256xf32>
    %dot_general3A_275 = tpu.matmul %convert_element_type3A_269, %convert_element_type3A_273, %dot_general3A_274 {dimension_numbers = #tpu.dot_dimension_numbers<[1], [0], [0], [1], [0, 0, 1, 1], [], []>, transpose_lhs_hint = false} : vector<1024x256xbf16>, vector<256x256xbf16>, vector<1024x256xf32> -> vector<1024x256xf32>
    %get3A_276 = arith.constant 0 : index
    %get3A_277 = arith.constant 0 : index
    %get3A_278 = vector.load %arg15[%get3A_276, %get3A_277] : memref<1x256xf32, #tpu.memory_space<vmem>>, vector<1x256xf32>
    %add3A_279 = vector.broadcast %get3A_278 : vector<1x256xf32> to vector<1024x256xf32>
    %add3A_280 = arith.addf %dot_general3A_275, %add3A_279 : vector<1024x256xf32>
    %max3A_281 = arith.constant 0.000000e+00 : f32
    %max3A_282 = vector.broadcast %max3A_281 : f32 to vector<1024x256xf32>
    %max3A_283 = arith.maximumf %add3A_280, %max3A_282 : vector<1024x256xf32>
    %add3A_284 = arith.addf %add3A_268, %max3A_283 : vector<1024x256xf32>
    %convert_element_type3A_285 = arith.truncf %add3A_284 : vector<1024x256xf32> to vector<1024x256xbf16>
    %get3A_286 = arith.constant 0 : index
    %get3A_287 = arith.constant 0 : index
    %get3A_288 = vector.load %arg16[%get3A_286, %get3A_287] : memref<256x256xf32, #tpu.memory_space<vmem>>, vector<256x256xf32>
    %convert_element_type3A_289 = arith.truncf %get3A_288 : vector<256x256xf32> to vector<256x256xbf16>
    %dot_general3A_290 = arith.constant dense<0.000000e+00> : vector<1024x256xf32>
    %dot_general3A_291 = tpu.matmul %convert_element_type3A_285, %convert_element_type3A_289, %dot_general3A_290 {dimension_numbers = #tpu.dot_dimension_numbers<[1], [0], [0], [1], [0, 0, 1, 1], [], []>, transpose_lhs_hint = false} : vector<1024x256xbf16>, vector<256x256xbf16>, vector<1024x256xf32> -> vector<1024x256xf32>
    %get3A_292 = arith.constant 0 : index
    %get3A_293 = arith.constant 0 : index
    %get3A_294 = vector.load %arg17[%get3A_292, %get3A_293] : memref<1x256xf32, #tpu.memory_space<vmem>>, vector<1x256xf32>
    %add3A_295 = vector.broadcast %get3A_294 : vector<1x256xf32> to vector<1024x256xf32>
    %add3A_296 = arith.addf %dot_general3A_291, %add3A_295 : vector<1024x256xf32>
    %max3A_297 = arith.constant 0.000000e+00 : f32
    %max3A_298 = vector.broadcast %max3A_297 : f32 to vector<1024x256xf32>
    %max3A_299 = arith.maximumf %add3A_296, %max3A_298 : vector<1024x256xf32>
    %add3A_300 = arith.addf %add3A_284, %max3A_299 : vector<1024x256xf32>
    %get3A_301 = arith.constant 0 : index
    %get3A_302 = arith.constant 0 : index
    %get3A_303 = vector.load %arg18[%get3A_301, %get3A_302] : memref<256x1xf32, #tpu.memory_space<vmem>>, vector<256x1xf32>
    %dot_general3A_304 = arith.constant dense<0.000000e+00> : vector<1024x1xf32>
    %dot_general3A_305 = tpu.matmul %add3A_300, %get3A_303, %dot_general3A_304 {dimension_numbers = #tpu.dot_dimension_numbers<[1], [0], [0], [1], [0, 0, 1, 1], [], []>, transpose_lhs_hint = false} : vector<1024x256xf32>, vector<256x1xf32>, vector<1024x1xf32> -> vector<1024x1xf32>
    %get3A_306 = arith.constant 0 : index
    %get3A_307 = arith.constant 0 : index
    %get3A_308 = vector.load %arg19[%get3A_306, %get3A_307] : memref<1x1xf32, #tpu.memory_space<vmem>>, vector<1x1xf32>
    %add3A_309 = vector.broadcast %get3A_308 : vector<1x1xf32> to vector<1024x1xf32>
    %add3A_310 = arith.addf %dot_general3A_305, %add3A_309 : vector<1024x1xf32>
    %swap3A = arith.constant 0 : index
    %swap3A_311 = arith.constant 0 : index
    %swap3A_312 = vector.load %arg20[%swap3A, %swap3A_311] : memref<1024x1xf32, #tpu.memory_space<vmem>>, vector<1024x1xf32>
    tpu.vector_store %arg20[%swap3A, %swap3A_311], %add3A_310 {strides = array<i32>} : memref<1024x1xf32, #tpu.memory_space<vmem>>, vector<1024x1xf32>,
    return
  }
  func.func @transform_0(%arg0: i32) -> (i32, i32) {
    %c0_i32 = arith.constant 0 : i32
    %c0_i32_0 = arith.constant 0 : i32
    return %arg0, %c0_i32 : i32, i32
  }
  func.func @transform_1(%arg0: i32) -> (i32, i32, i32) {
    %c0_i32 = arith.constant 0 : i32
    %c0_i32_0 = arith.constant 0 : i32
    %c0_i32_1 = arith.constant 0 : i32
    return %c0_i32, %arg0, %c0_i32_0 : i32, i32, i32
  }
  func.func @transform_2(%arg0: i32) -> (i32, i32) {
    %c0_i32 = arith.constant 0 : i32
    %c0_i32_0 = arith.constant 0 : i32
    %c0_i32_1 = arith.constant 0 : i32
    return %c0_i32, %c0_i32_0 : i32, i32
  }
  func.func @transform_3(%arg0: i32) -> (i32, i32) {
    %c0_i32 = arith.constant 0 : i32
    %c0_i32_0 = arith.constant 0 : i32
    %c0_i32_1 = arith.constant 0 : i32
    return %c0_i32, %c0_i32_0 : i32, i32
  }
  func.func @transform_4(%arg0: i32) -> (i32, i32) {
    %c0_i32 = arith.constant 0 : i32
    %c0_i32_0 = arith.constant 0 : i32
    %c0_i32_1 = arith.constant 0 : i32
    return %c0_i32, %c0_i32_0 : i32, i32
  }
  func.func @transform_5(%arg0: i32) -> (i32, i32) {
    %c0_i32 = arith.constant 0 : i32
    %c0_i32_0 = arith.constant 0 : i32
    %c0_i32_1 = arith.constant 0 : i32
    return %c0_i32, %c0_i32_0 : i32, i32
  }
  func.func @transform_6(%arg0: i32) -> (i32, i32) {
    %c0_i32 = arith.constant 0 : i32
    %c0_i32_0 = arith.constant 0 : i32
    %c0_i32_1 = arith.constant 0 : i32
    return %c0_i32, %c0_i32_0 : i32, i32
  }
  func.func @transform_7(%arg0: i32) -> (i32, i32) {
    %c0_i32 = arith.constant 0 : i32
    %c0_i32_0 = arith.constant 0 : i32
    %c0_i32_1 = arith.constant 0 : i32
    return %c0_i32, %c0_i32_0 : i32, i32
  }
  func.func @transform_8(%arg0: i32) -> (i32, i32) {
    %c0_i32 = arith.constant 0 : i32
    %c0_i32_0 = arith.constant 0 : i32
    %c0_i32_1 = arith.constant 0 : i32
    return %c0_i32, %c0_i32_0 : i32, i32
  }
  func.func @transform_9(%arg0: i32) -> (i32, i32, i32) {
    %c0_i32 = arith.constant 0 : i32
    %c0_i32_0 = arith.constant 0 : i32
    %c0_i32_1 = arith.constant 0 : i32
    %c0_i32_2 = arith.constant 0 : i32
    return %c0_i32, %c0_i32_0, %c0_i32_1 : i32, i32, i32
  }
  func.func @transform_10(%arg0: i32) -> (i32, i32) {
    %c0_i32 = arith.constant 0 : i32
    %c0_i32_0 = arith.constant 0 : i32
    %c0_i32_1 = arith.constant 0 : i32
    return %c0_i32, %c0_i32_0 : i32, i32
  }
  func.func @transform_11(%arg0: i32) -> (i32, i32) {
    %c0_i32 = arith.constant 0 : i32
    %c0_i32_0 = arith.constant 0 : i32
    %c0_i32_1 = arith.constant 0 : i32
    return %c0_i32, %c0_i32_0 : i32, i32
  }
  func.func @transform_12(%arg0: i32) -> (i32, i32) {
    %c0_i32 = arith.constant 0 : i32
    %c0_i32_0 = arith.constant 0 : i32
    %c0_i32_1 = arith.constant 0 : i32
    return %c0_i32, %c0_i32_0 : i32, i32
  }
  func.func @transform_13(%arg0: i32) -> (i32, i32) {
    %c0_i32 = arith.constant 0 : i32
    %c0_i32_0 = arith.constant 0 : i32
    %c0_i32_1 = arith.constant 0 : i32
    return %c0_i32, %c0_i32_0 : i32, i32
  }
  func.func @transform_14(%arg0: i32) -> (i32, i32) {
    %c0_i32 = arith.constant 0 : i32
    %c0_i32_0 = arith.constant 0 : i32
    %c0_i32_1 = arith.constant 0 : i32
    return %c0_i32, %c0_i32_0 : i32, i32
  }
  func.func @transform_15(%arg0: i32) -> (i32, i32) {
    %c0_i32 = arith.constant 0 : i32
    %c0_i32_0 = arith.constant 0 : i32
    %c0_i32_1 = arith.constant 0 : i32
    return %c0_i32, %c0_i32_0 : i32, i32
  }
  func.func @transform_16(%arg0: i32) -> (i32, i32) {
    %c0_i32 = arith.constant 0 : i32
    %c0_i32_0 = arith.constant 0 : i32
    %c0_i32_1 = arith.constant 0 : i32
    return %c0_i32, %c0_i32_0 : i32, i32
  }
  func.func @transform_17(%arg0: i32) -> (i32, i32) {
    %c0_i32 = arith.constant 0 : i32
    %c0_i32_0 = arith.constant 0 : i32
    %c0_i32_1 = arith.constant 0 : i32
    return %c0_i32, %c0_i32_0 : i32, i32
  }
  func.func @transform_18(%arg0: i32) -> (i32, i32) {
    %c0_i32 = arith.constant 0 : i32
    %c0_i32_0 = arith.constant 0 : i32
    %c0_i32_1 = arith.constant 0 : i32
    return %c0_i32, %c0_i32_0 : i32, i32
  }
  func.func @transform_19(%arg0: i32) -> (i32, i32) {
    %c0_i32 = arith.constant 0 : i32
    %c0_i32_0 = arith.constant 0 : i32
    return %arg0, %c0_i32 : i32, i32
  }
}

</mosaic_0001>

<sc_bundles>
// kernel: kernel.5.cloned.1.call-start
scs
__scs_entry_jumppad:
0x0: {  	(pc) =	sbr.rel $0x88, $3  }
0x1: {  	(tag) =	ssettag $0x0;
	lr =	simm.s32 $0x1  }
0x2: {  	[smem:$0x3F8F] =	sst lr;
	_ =	strace $0xD0000000  }
0x3: {  	_ = 	snop  }
0x4: {  	_ = 	snop  }
0x5: {  	_ = 	snop  }
0x6: {  	_ = 	snop  }
0x7: {  	_ = 	snop  }
__scs_overlays_trampoline_lowered:
0x8: {  	[smem:$0x3F9E] =	sst s0  }
0x9: {  	[smem:$0x3F9F] =	sst s1  }
0xa: {  	[smem:$0x3FA0] =	sst s2  }
0xb: {  	[smem:$0x3FA1] =	sst s3  }
0xc: {  	[smem:$0x3FA2] =	sst s4  }
0xd: {  	[smem:$0x3FA3] =	sst s5  }
0xe: {  	[smem:$0x3FA4] =	sst s6  }
0xf: {  	[smem:$0x3FA5] =	sst s7  }
0x10: {  	[smem:$0x3FA6] =	sst s8  }
0x11: {  	[smem:$0x3FA7] =	sst s9;
	s0 =	simm.s32 @!p0 $0x0  }
0x12: {  	s1 =	sld [smem:$0x3F8D];
	s0 =	simm.s32 @p0 $0x1  }
0x13: {  	[smem:$0x3FA8] =	sst s0;
	s0 =	simm.s32 @!p1 $0x0  }
0x14: {  	s2 =	sld [smem:$0x3F8C];
	s0 =	simm.s32 @p1 $0x1  }
0x15: {  	[smem:$0x3FA9] =	sst s0;
	s0 =	simm.s32 @!p2 $0x0  }
0x16: {  	s3 =	sld [smem:$0x3FDB];
	s0 =	simm.s32 @p2 $0x1  }
0x17: {  	s4 =	simm.s32 $0x1BF5;
	[smem:$0x3FAB] =	sst s0  }
0x18: {  	s0 =	sld [smem:$0x3F8E];
	_ =	swait.ge [sflag:s4], $0x0  }
0x19: {  	s7 =	sld [smem:$0x3F8F]  }
0x1a: {  	s8 =	sadd.s32 $0xFFFFE003, lr  }
0x1b: {  	s9 =	sadd.s32 $0xFFFFFEF7, lr;
	s5 =	simm.s32 $0xFFFFFFFF;
	p2 =	slt.u32 s8, $0xFFFFF086  }
0x1c: {  	p1 =	slt.u32 s9, $0xF7A;
	s5 =	simm.s32 @!p2 $0x0  }
0x1d: {  	s5 =	simm.s32 @p1 $0x1;
	p0 =	seq.s32 s7, s2  }
0x1e: {  	s7 =	smul.u32 @!p0 $0xF7A, s2;
	p2 =	seq.s32 @!p0 s5, $0x0  }
0x1f: {  	s9 =	smul.u32 $0xF7A, s1;
	s8 =	simm.s32 @!p0 $0x1BF5;
	p2 =	por !p2, p0  }
0x20: {  	[sflag:s8] =	ssyncset.s32 @!p0 $0xFFFFF086;
	s6 =	sadd.s32 @!p0 s3, s7;
	s7 =	simm.s32 @!p0 $0x108  }
0x21: {  	s3 =	sadd.s32 s3, s9;
	s6 =	sadd.s32 @!p0 $0x88, s6;
	s7 =	simm.s32 @p2 $0x1082  }
0x22: {  	[simem:s7], [sflag:s8] =	dma.local @!p0 [hbm:s6], $0xF7A  }
0x23: {  	s9 =	sor.u32 $0xD0000000, s2;
	s6 =	simm.s32 $0x108;
	_ =	swait.ge @!p0 [sflag:s8], $0x0  }
0x24: {  	s3 =	sadd.s32 $0x88, s3;
	s6 =	simm.s32 @!p1 $0x1082;
	[sflag:s4] =	ssyncset.s32 $0xFFFFF086  }
0x25: {  	[simem:s6], [sflag:s4] =	dma.local [hbm:s3], $0xF7A  }
0x26: {  	[smem:$0x3F8F] =	sst s1;
	(tag) =	ssettag s2;
	_ =	strace s9  }
0x27: {  	s1 =	sld [smem:$0x3F9F]  }
0x28: {  	s2 =	sld [smem:$0x3FA0]  }
0x29: {  	s4 =	sld [smem:$0x3FA2]  }
0x2a: {  	p0 =	seq.s32 s5, $0x0;
	s5 =	sld [smem:$0x3FA3]  }
0x2b: {  	s6 =	sld [smem:$0x3FA4]  }
0x2c: {  	s7 =	sld [smem:$0x3FA5]  }
0x2d: {  	s3 =	simm.s32 $0x108;
	s8 =	sld [smem:$0x3FA6]  }
0x2e: {  	s3 =	simm.s32 @!p0 $0x1082;
	s9 =	sld [smem:$0x3FA7]  }
0x2f: {  	lr =	sadd.s32 s0, s3;
	s0 =	sld [smem:$0x3F9E]  }
0x30: {  	s3 =	sld [smem:$0x3FA1]  }
0x31: {  	[smem:$0x3FAA] =	sst s10  }
0x32: {  	s10 =	sld [smem:$0x3FA8];
	_ =	sdelay $0x3  }
0x33: {  	p0 =	seq.s32 s10, $0x1;
	s10 =	sld [smem:$0x3FAA];
	_ =	sdelay $0x3  }
0x34: {  	[smem:$0x3FAA] =	sst s10  }
0x35: {  	s10 =	sld [smem:$0x3FA9];
	_ =	sdelay $0x3  }
0x36: {  	p1 =	seq.s32 s10, $0x1;
	s10 =	sld [smem:$0x3FAA];
	_ =	sdelay $0x3  }
0x37: {  	[smem:$0x3FAA] =	sst s10  }
0x38: {  	s10 =	sld [smem:$0x3FAB]  }
0x39: {  	_ = 	snop;
	(pc) =	sbr.ind lr, $3  }
0x3a: {  	_ = 	snop  }
0x3b: {  	_ = 	snop  }
0x3c: {  	p2 =	seq.s32 s10, $0x1;
	s10 =	sld [smem:$0x3FAA]  }
0x3d: {  	_ =	shalt  }
0x3e: {  	_ =	shalt  }
0x3f: {  	_ =	shalt  }
0x40: {  	_ =	shalt  }
0x41: {  	_ =	shalt  }
0x42: {  	_ =	shalt  }
0x43: {  	_ =	shalt  }
0x44: {  	_ =	shalt  }
0x45: {  	_ =	shalt  }
0x46: {  	_ =	shalt  }
0x47: {  	_ =	shalt  }
0x48: {  	_ =	shalt  }
0x49: {  	_ =	shalt  }
0x4a: {  	_ =	shalt  }
0x4b: {  	_ =	shalt  }
0x4c: {  	_ =	shalt  }
0x4d: {  	_ =	shalt  }
0x4e: {  	_ =	shalt  }
0x4f: {  	_ =	shalt  }
0x50: {  	_ =	shalt  }
0x51: {  	_ =	shalt  }
0x52: {  	_ =	shalt  }
0x53: {  	_ =	shalt  }
0x54: {  	_ =	shalt  }
0x55: {  	_ =	shalt  }
0x56: {  	_ =	shalt  }
0x57: {  	_ =	shalt  }
0x58: {  	_ =	shalt  }
0x59: {  	_ =	shalt  }
0x5a: {  	_ =	shalt  }
0x5b: {  	_ =	shalt  }
0x5c: {  	_ =	shalt  }
0x5d: {  	_ =	shalt  }
0x5e: {  	_ =	shalt  }
0x5f: {  	_ =	shalt  }
0x60: {  	_ =	shalt  }
0x61: {  	_ =	shalt  }
0x62: {  	_ =	shalt  }
0x63: {  	_ =	shalt  }
0x64: {  	_ =	shalt  }
0x65: {  	_ =	shalt  }
0x66: {  	_ =	shalt  }
0x67: {  	_ =	shalt  }
0x68: {  	_ =	shalt  }
0x69: {  	_ =	shalt  }
0x6a: {  	_ =	shalt  }
0x6b: {  	_ =	shalt  }
0x6c: {  	_ =	shalt  }
0x6d: {  	_ =	shalt  }
0x6e: {  	_ =	shalt  }
0x6f: {  	_ =	shalt  }
0x70: {  	_ =	shalt  }
0x71: {  	_ =	shalt  }
0x72: {  	_ =	shalt  }
0x73: {  	_ =	shalt  }
0x74: {  	_ =	shalt  }
0x75: {  	_ =	shalt  }
0x76: {  	_ =	shalt  }
0x77: {  	_ =	shalt  }
0x78: {  	_ =	shalt  }
0x79: {  	_ =	shalt  }
0x7a: {  	_ =	shalt  }
0x7b: {  	_ =	shalt  }
0x7c: {  	_ =	shalt  }
0x7d: {  	_ =	shalt  }
0x7e: {  	_ =	shalt  }
0x7f: {  	_ =	shalt  }
0x80: {  	_ =	shalt  }
0x81: {  	_ =	shalt  }
0x82: {  	_ =	shalt  }
0x83: {  	_ =	shalt  }
0x84: {  	_ =	shalt  }
0x85: {  	_ =	shalt  }
0x86: {  	_ =	shalt  }
0x87: {  	_ =	shalt  }
.Lfunc_end0:
.L_simem_size_0:
called_computation_lowered:
.L_overlay_start_0:
0x88: {  	s2 =	sld [smem:$0x3FD9]  }
0x89: {  	s3 =	sld [smem:$0x3FFE];
	_ =	sdelay $0x1  }
0x8a: {  	s1 =	srdreg.scid  }
0x8b: {  	s0 =	sand.u32 $0x1, s1  }
0x8c: {  	s16 =	sshll.u32 s0, $0xA;
	s2 =	sadd.s32 s3, s2  }
0x8d: {  	s2 =	sadd.s32 s2, s16  }
0x8e: {  	[smem:$0x3FB6] =	sst s2  }
0x8f: {  	_ = 	snop  }
0x90: {  	(tm) =	ssettm $0x1  }
0x91: {  	s17 =	sld [smem:$0x3FFB];
	_ =	sdelay $0x3  }
0x92: {  	_ =	strace s17  }
0x93: {  	s2 =	sld [smem:$0x3FFC];
	_ =	sdelay $0x3  }
0x94: {  	_ =	strace s2  }
0x95: {  	s2 =	sld [smem:$0x3FFD];
	_ =	sdelay $0x3  }
0x96: {  	_ =	strace s2  }
0x97: {  	_ =	strace $0x8FFFFFFF  }
0x98: {  	s18 =	sld [smem:$0x3FDB];
	_ =	sdelay $0x1  }
0x99: {  	s19 =	simm.s32 $_scs_section_size  }
0x9a: {  	s4 =	simm.s32 $_size__tile_overlayer_lowered;
	s5 =	simm.s32 $_tile_overlayer_lowered  }
0x9b: {  	s22 =	simm.s32 $0x1BFF;
	s21 =	sshll.u32 s5, $0x1;
	s2 =	sadd.s32 s19, s18  }
0x9c: {  	s6 =	simm.s32 $0x0;
	s20 =	sshll.u32 s4, $0x1;
	s4 =	sadd.s32 s21, s2  }
0x9d: {  	[timem:s6], [sflag:s22] =	dma.local [hbm:s4], s20  }
0x9e: {  	_ =	swait.ge [sflag:s22], s20  }
0x9f: {  	s3 =	ssub.s32 $0x0, s20;
	[sflag:s22] =	ssyncset.done $0x0  }
0xa0: {  	[sflag:s22] =	ssyncadd.s32 s3;
	_ =	sdelay $0x1  }
0xa1: {  	s23 =	simm.s32 $0x1B8B  }
0xa2: {  	_ =	swait.ge [sflag:s23], $0x1  }
0xa3: {  	[sflag:s23] =	ssyncset.done $0x0  }
0xa4: {  	s25 =	simm.s32 $0x1B8E;
	s24 =	sld [smem:$0x3FFE];
	[sflag:s23] =	ssyncadd.s32 $0xFFFFFFFF  }
0xa5: {  	s26 =	simm.s32 $execute0_lowered;
	[smem:$0x3FD2] =	sst s25  }
0xa6: {  	s4 =	sshll.u32 s26, $0x1;
	_ =	strace $0x80000046;
	[dreg:$0x1] =	wrdreg $0xFFFFFFFF  }
0xa7: {  	s28 =	simm.s32 $_size_execute0_lowered;
	s2 =	sadd.s32 s2, s4;
	[dreg:$0x0] =	wrdreg $0x0  }
0xa8: {  	s4 =	sshll.u32 s28, $0x1;
	[dreg:$0x2] =	wrdreg s2  }
0xa9: {  	[dreg:$0x3] =	wrdreg s4  }
0xaa: {  	[dreg:$0x4] =	wrdreg $0xC0  }
0xab: {  	_ =	task [dreg:s6], $0x5FFFF  }
0xac: {  	[dreg:$0x1] =	wrdreg $0xFFFFFFFF  }
0xad: {  	[dreg:$0x0] =	wrdreg $0x60  }
0xae: {  	[dreg:$0x2] =	wrdreg s24  }
0xaf: {  	[dreg:$0x3] =	wrdreg $0x9  }
0xb0: {  	_ =	task.clear_ibuf [dreg:s6], $0x4FFFF;
	_ =	strace $0x90000046  }
0xb1: {  	s29 =	simm.s32 $0x9;
	_ =	strace $0x80000048  }
0xb2: {  	_ =	swait.ge [sflag:s29], $0x1  }
0xb3: {  	[sflag:s29] =	ssyncadd.s32 $0xFFFFFFFF  }
0xb4: {  	_ =	strace $0x90000048  }
0xb5: {  	_ =	sfence  }
0xb6: {  	s30 =	sld [smem:$0x0];
	_ =	sdelay $0x2  }
0xb7: {  	s31 =	sshll.u32 s1, $0xD;
	s1 =	sshrl.u32 s1, $0x2  }
0xb8: {  	s3 =	sand.u32 $0x4000, s31;
	s1 =	sadd.s32 s1, s30  }
0xb9: {  	s0 =	sor.u32 s3, s0;
	s1 =	sshll.u32 s1, $0x11  }
0xba: {  	s0 =	sor.u32 s1, s0  }
0xbb: {  	s0 =	sadd.s32 $0x8F2B, s0  }
0xbc: {  	[sflag:s0] =	ssyncadd.remote.s32 $0x1  }
0xbd: {  	_ =	sfence.sel $0xFFFF  }
0xbe: {  	[dreg:$0x0] =	wrdreg $0xFFFFFFFF;
	(pc) =	sbr.abs _section_cstart, $3  }
0xbf: {  	[dreg:$0x1] =	wrdreg $0xFFFFFFFF  }
0xc0: {  	_ =	task.clear_ibuf [dreg:s6], $0x2FFFF;
	_ =	strace $0x9FFFFFFF  }
0xc1: {  	(tm) =	ssettm $0x7FFFFFFF  }
tec
execute0_lowered:
.L_overlay_start_1:
0x0: {  	(tag) =	ssettag $0x1  }
0x1: {  	s0 =	rddreg [dreg:$0x0]  }
0x2: {  	s1 =	srdreg.scid;
	s3 =	stileid.u32  }
0x3: {  	s2 =	simm.s32 $0x0;
	s28 =	simm.s32 $0x2;
	s31 =	simm.s32 $0x1  }
0x4: {  	s1 =	sand.u32 $0x1, s1;
	s3 =	sshll.u32 s3, $0x1;
	[smem:$0x7FF] =	sst s2  }
0x5: {  	s9 =	sadd.s32 $0x2600, s0;
	s4 =	sadd.s32 $0xF51A00, s0;
	s14 =	sadd.s32 $0x2E00, s0  }
0x6: {  	s17 =	sadd.s32 $0xF51A08, s0;
	s7 =	sor.u32 s1, s3;
	_ =	strace $0x80000047  }
0x7: {  	s3 =	sadd.s32 $0xF600, s0;
	s1 =	ssub.s32 $0x2, s1;
	s8 =	smul.u32 $0x3400, s7  }
0x8: {  	s0 =	simm.s32 $0x40;
	s5 =	sshrl.u32 s1, $0x1;
	s16 =	smul.u32 $0xD0000, s7  }
0x9: {  	s1 =	ssub.s32 s1, s5;
	s10 =	sshrl.u32 s8, $0x1;
	s11 =	sand.u32 $0x78000, s8  }
0xa: {  	s6 =	sshrl.u32 s8, $0xF;
	s13 =	sshrl.u32 s8, $0x3;
	s21 =	sor.u32 $0x80, s8  }
0xb: {  	s22 =	sor.u32 $0x100, s8;
	s24 =	sor.u32 $0x180, s8;
	s5 =	sand.u32 $0x3E00, s10  }
0xc: {  	s18 =	sor.u32 $0x200, s8;
	s13 =	sadd.s32 $0x600, s13;
	s12 =	sor.u32 s11, s5  }
0xd: {  	s23 =	ssub.s32 s22, s11;
	s26 =	ssub.s32 s24, s11;
	s12 =	sshrl.u32 s12, $0x3  }
0xe: {  	s19 =	sor.u32 $0x40, s10;
	s22 =	sor.u32 $0x300, s8;
	s15 =	sadd.s32 s9, s12  }
0xf: {  	s20 =	sand.u32 $0x1F000, s13;
	s12 =	sadd.s32 s12, s14;
	[dreg:$0x2] =	wrdreg s15  }
0x10: {  	s24 =	sor.u32 $0x380, s8;
	s9 =	sadd.s32 s9, s20;
	[dreg:$0x3] =	wrdreg s12  }
0x11: {  	[dreg:$0x4] =	wrdreg s9;
	s12 =	sadd.s32 s20, s14;
	s9 =	ssub.s32 s21, s11  }
0x12: {  	s20 =	sor.u32 $0x280, s8;
	s21 =	sor.u32 $0x80, s10;
	[dreg:$0x5] =	wrdreg s12  }
0x13: {  	s9 =	sshra.s32 s9, $0x1;
	s12 =	sshra.s32 s23, $0x1;
	s23 =	sor.u32 $0xC0, s10  }
0x14: {  	s25 =	ssub.s32 s9, s5;
	s12 =	ssub.s32 s12, s5;
	s9 =	sshra.s32 s26, $0x1  }
0x15: {  	[dreg:$0x6] =	wrdreg s25;
	s29 =	sadd.s32 $0x1A00, s25;
	s30 =	sadd.s32 $0x1A00, s12  }
0x16: {  	s15 =	ssub.s32 s9, s5;
	s25 =	smax.u32 s1, $0x1;
	[dreg:$0x7] =	wrdreg s29  }
0x17: {  	s1 =	simm.s32 $0x0;
	[dreg:$0x8] =	wrdreg s30;
	s26 =	sadd.s32 $0x1A00, s15  }
.LBB2_1:
0x18: {  	s7 =	rddreg [dreg:$0x2]  }
0x19: {  	[tilespmem:s2], [sflag:$0x2] =	stream.linear.gather [hbm4b:s7+s2], $0x1A00, $0x38;
	[tilespmem:$0x16800] =	vst v63  }
0x1a: {  	_ =	swait.ge [sflag:s28], $0x1A00  }
0x1b: {  	[sflag:s28] =	ssyncset.done $0x0  }
0x1c: {  	s8 =	simm.s32 $0x1A00;
	s29 =	rddreg [dreg:$0x3];
	[sflag:s28] =	ssyncadd.s32 $0xFFFFE600  }
0x1d: {  	[tilespmem:s8], [sflag:$0x2] =	stream.linear.gather [hbm4b:s29+s2], $0x1A00, $0x38;
	[tilespmem:$0x16800] =	vst v63  }
0x1e: {  	_ =	swait.ge [sflag:s28], $0x1A00  }
0x1f: {  	[sflag:s28] =	ssyncset.done $0x0  }
0x20: {  	s9 =	simm.s32 $0x3400;
	s30 =	rddreg [dreg:$0x4];
	[sflag:s28] =	ssyncadd.s32 $0xFFFFE600  }
0x21: {  	[tilespmem:s9], [sflag:$0x2] =	stream.linear.gather [hbm4b:s30+s2], $0x1A00, $0x38;
	[tilespmem:$0x16800] =	vst v63  }
0x22: {  	_ =	swait.ge [sflag:s28], $0x1A00  }
0x23: {  	[sflag:s28] =	ssyncset.done $0x0  }
0x24: {  	s11 =	simm.s32 $0x4E00;
	s10 =	rddreg [dreg:$0x5];
	[sflag:s28] =	ssyncadd.s32 $0xFFFFE600  }
0x25: {  	[tilespmem:s11], [sflag:$0x2] =	stream.linear.gather [hbm4b:s10+s2], $0x1A00, $0x38;
	[tilespmem:$0x16800] =	vst v63  }
0x26: {  	_ =	swait.ge [sflag:s28], $0x1A00  }
0x27: {  	[sflag:s28] =	ssyncset.done $0x0  }
0x28: {  	s13 =	simm.s32 $0x6800;
	[sflag:s28] =	ssyncadd.s32 $0xFFFFE600  }
0x29: {  	[tilespmem:s13], [sflag:$0x1] =	stream.indirect.gather [hbm4b:s3+s0], $0x80, s2, s0, $0xb8;
	[tilespmem:$0x16800] =	vst v63  }
0x2a: {  	s14 =	simm.s32 $0x8800  }
0x2b: {  	[tilespmem:s14], [sflag:$0x1] =	stream.indirect.gather [hbm4b:s3+s0], $0x80, s8, s0, $0xb8;
	[tilespmem:$0x16800] =	vst v63  }
0x2c: {  	s30 =	simm.s32 $0xA800;
	s29 =	rddreg [dreg:$0x6]  }
0x2d: {  	[tilespmem:s30], [sflag:$0x1] =	stream.indirect.gather [hbm4b:s3+s0], $0x80, s29, s0, $0xb8;
	[tilespmem:$0x16800] =	vst v63  }
0x2e: {  	s10 =	simm.s32 $0xC800;
	s9 =	rddreg [dreg:$0x7]  }
0x2f: {  	[tilespmem:s10], [sflag:$0x1] =	stream.indirect.gather [hbm4b:s3+s0], $0x80, s9, s0, $0xb8;
	[tilespmem:$0x16800] =	vst v63  }
0x30: {  	s11 =	simm.s32 $0xE800  }
0x31: {  	[tilespmem:s11], [sflag:$0x1] =	stream.indirect.gather [hbm4b:s3+s0], $0x80, s12, s0, $0xb8;
	[tilespmem:$0x16800] =	vst v63  }
0x32: {  	s13 =	rddreg [dreg:$0x8];
	s14 =	simm.s32 $0x10800  }
0x33: {  	[tilespmem:s14], [sflag:$0x1] =	stream.indirect.gather [hbm4b:s3+s0], $0x80, s13, s0, $0xb8;
	[tilespmem:$0x16800] =	vst v63  }
0x34: {  	s29 =	simm.s32 $0x12800  }
0x35: {  	[tilespmem:s29], [sflag:$0x1] =	stream.indirect.gather [hbm4b:s3+s0], $0x80, s15, s0, $0xb8;
	[tilespmem:$0x16800] =	vst v63  }
0x36: {  	s7 =	simm.s32 $0x0;
	s30 =	simm.s32 $0x14800  }
0x37: {  	[tilespmem:s30], [sflag:$0x1] =	stream.indirect.gather [hbm4b:s3+s0], $0x80, s26, s0, $0xb8;
	[tilespmem:$0x16800] =	vst v63  }
.LBB2_2:
0x38: {  	_ =	swait.ge [sflag:s31], $0x2000  }
0x39: {  	s8 =	sshll.u32 s7, $0xF;
	[sflag:s31] =	ssyncset.done $0x0  }
0x3a: {  	s8 =	sadd.s32 s16, s8;
	[sflag:s31] =	ssyncadd.s32 $0xFFFFE000  }
0x3b: {  	s10 =	simm.s32 $0x6800;
	s8 =	sshrl.u32 s8, $0x3;
	_ =	swait.ge [sflag:s31], $0x2000  }
0x3c: {  	s13 =	simm.s32 $0x10;
	s9 =	sadd.s32 s4, s8;
	[sflag:s31] =	ssyncset.done $0x0  }
0x3d: {  	s14 =	simm.s32 $0x6880;
	s11 =	sadd.s32 $0x0, s9;
	[sflag:s31] =	ssyncadd.s32 $0xFFFFE000  }
.LBB2_3:
0x3e: {  	[hbm4b:s11+s2] =	stream.linear.scatter [tilespmem:s10], [sflag:$0x2], $0x40, $0x38;
	[tilespmem:$0x16800] =	vst v63  }
0x3f: {  	s11 =	smov.u32 s13;
	s10 =	smov.u32 s14;
	p0 =	sne.s32 s13, $0x3F0  }
.Ltmp0:
0x40: {  	s13 =	sadd.s32 $0x10, s13;
	(pc) =	sbr.rel @p0 .LBB2_3-.Ltmp0, $2  }
0x41: {  	_ =	sdelay $0x2  }
0x42: {  	s14 =	sadd.s32 $0x80, s14;
	s11 =	sadd.s32 s11, s9  }
0x43: {  	[hbm4b:s11+s2] =	stream.linear.scatter [tilespmem:s10], [sflag:$0x2], $0x40, $0x38;
	[tilespmem:$0x16800] =	vst v63  }
0x44: {  	s8 =	sadd.s32 s8, s17;
	_ =	swait.ge [sflag:s28], $0x1000  }
0x45: {  	s9 =	simm.s32 $0x8800;
	s10 =	simm.s32 $0x10;
	[sflag:s28] =	ssyncset.done $0x0  }
0x46: {  	s13 =	simm.s32 $0x8880;
	s11 =	sadd.s32 $0x0, s8;
	[sflag:s28] =	ssyncadd.s32 $0xFFFFF000  }
.LBB2_5:
0x47: {  	[hbm4b:s11+s2] =	stream.linear.scatter [tilespmem:s9], [sflag:$0x2], $0x40, $0x38;
	[tilespmem:$0x16800] =	vst v63  }
0x48: {  	s11 =	smov.u32 s10;
	s9 =	smov.u32 s13;
	p0 =	sne.s32 s10, $0x3F0  }
.Ltmp1:
0x49: {  	s10 =	sadd.s32 $0x10, s10;
	(pc) =	sbr.rel @p0 .LBB2_5-.Ltmp1, $2  }
0x4a: {  	_ =	sdelay $0x2  }
0x4b: {  	s13 =	sadd.s32 $0x80, s13;
	s11 =	sadd.s32 s11, s8  }
0x4c: {  	[hbm4b:s11+s2] =	stream.linear.scatter [tilespmem:s9], [sflag:$0x2], $0x40, $0x38;
	[tilespmem:$0x16800] =	vst v63  }
0x4d: {  	s30 =	sshll.u32 s7, $0x9;
	p0 =	seq.s32 s7, $0x19  }
0x4e: {  	s8 =	sadd.s32 @!p0 s30, s18  }
0x4f: {  	s9 =	sshrl.u32 @!p0 s8, $0xF  }
0x50: {  	_ =	swait.ge [sflag:s28], $0x1000;
	s10 =	simm.s32 @!p0 $0x0;
	p1 =	seq.s32 @!p0 s9, s6  }
0x51: {  	s8 =	sshrl.u32 @!p0 s8, $0x1;
	s9 =	smov.u32 s5;
	p1 =	por !p1, p0  }
0x52: {  	[sflag:s28] =	ssyncset.done $0x0;
	s8 =	sand.u32 @!p0 $0x3F00, s8;
	s9 =	simm.s32 @p1 $0x0  }
0x53: {  	[sflag:s28] =	ssyncadd.s32 $0xFFFFF000;
	s10 =	simm.s32 @p1 $0x3400;
	s8 =	ssub.s32 @!p0 s8, s9  }
0x54: {  	s9 =	simm.s32 @!p0 $0x40;
	s8 =	sadd.s32 @!p0 s8, s10;
	s10 =	simm.s32 @!p0 $0x6800  }
0x55: {  	[tilespmem:s10], [sflag:$0x1] =	stream.indirect.gather @!p0 [hbm4b:s3+s9], $0x80, s8, s9, $0xb8;
	[tilespmem:$0x16800] =	vst v63  }
0x56: {  	s8 =	sadd.s32 @!p0 $0x1A00, s8;
	s10 =	simm.s32 @!p0 $0x8800  }
0x57: {  	[tilespmem:s10], [sflag:$0x1] =	stream.indirect.gather @!p0 [hbm4b:s3+s9], $0x80, s8, s9, $0xb8;
	[tilespmem:$0x16800] =	vst v63  }
0x58: {  	_ =	swait.ge [sflag:s31], $0x2000  }
0x59: {  	s8 =	sshll.u32 s7, $0x8;
	[sflag:s31] =	ssyncset.done $0x0  }
0x5a: {  	s13 =	simm.s32 $0xA800;
	s14 =	sadd.s32 s8, s19;
	[sflag:s31] =	ssyncadd.s32 $0xFFFFE000  }
0x5b: {  	s11 =	simm.s32 $0xA880;
	s9 =	sshll.u32 s14, $0x4;
	_ =	swait.ge [sflag:s31], $0x2000  }
0x5c: {  	s7 =	sadd.s32 $0x1, s7;
	s10 =	sadd.s32 s4, s9;
	[sflag:s31] =	ssyncset.done $0x0  }
0x5d: {  	s14 =	simm.s32 $0x10;
	s29 =	sadd.s32 $0x0, s10;
	[sflag:s31] =	ssyncadd.s32 $0xFFFFE000  }
.LBB2_7:
0x5e: {  	[hbm4b:s29+s2] =	stream.linear.scatter [tilespmem:s13], [sflag:$0x2], $0x40, $0x38;
	[tilespmem:$0x16800] =	vst v63  }
0x5f: {  	s29 =	smov.u32 s14;
	s13 =	smov.u32 s11;
	p1 =	sne.s32 s14, $0x3F0  }
.Ltmp2:
0x60: {  	s14 =	sadd.s32 $0x10, s14;
	(pc) =	sbr.rel @p1 .LBB2_7-.Ltmp2, $2  }
0x61: {  	_ =	sdelay $0x2  }
0x62: {  	s11 =	sadd.s32 $0x80, s11;
	s29 =	sadd.s32 s29, s10  }
0x63: {  	[hbm4b:s29+s2] =	stream.linear.scatter [tilespmem:s13], [sflag:$0x2], $0x40, $0x38;
	[tilespmem:$0x16800] =	vst v63  }
0x64: {  	s9 =	sadd.s32 s9, s17;
	_ =	swait.ge [sflag:s28], $0x1000  }
0x65: {  	s10 =	simm.s32 $0xC800;
	s13 =	simm.s32 $0x10;
	[sflag:s28] =	ssyncset.done $0x0  }
0x66: {  	s11 =	simm.s32 $0xC880;
	s14 =	sadd.s32 $0x0, s9;
	[sflag:s28] =	ssyncadd.s32 $0xFFFFF000  }
.LBB2_9:
0x67: {  	[hbm4b:s14+s2] =	stream.linear.scatter [tilespmem:s10], [sflag:$0x2], $0x40, $0x38;
	[tilespmem:$0x16800] =	vst v63  }
0x68: {  	s14 =	smov.u32 s13;
	s10 =	smov.u32 s11;
	p1 =	sne.s32 s13, $0x3F0  }
.Ltmp3:
0x69: {  	s13 =	sadd.s32 $0x10, s13;
	(pc) =	sbr.rel @p1 .LBB2_9-.Ltmp3, $2  }
0x6a: {  	_ =	sdelay $0x2  }
0x6b: {  	s11 =	sadd.s32 $0x80, s11;
	s14 =	sadd.s32 s14, s9  }
0x6c: {  	[hbm4b:s14+s2] =	stream.linear.scatter [tilespmem:s10], [sflag:$0x2], $0x40, $0x38;
	[tilespmem:$0x16800] =	vst v63  }
0x6d: {  	s9 =	sadd.s32 @!p0 s30, s20  }
0x6e: {  	s10 =	sshrl.u32 @!p0 s9, $0xF  }
0x6f: {  	s11 =	simm.s32 @!p0 $0x0;
	_ =	swait.ge [sflag:s28], $0x1000;
	p1 =	seq.s32 @!p0 s10, s6  }
0x70: {  	s9 =	sshrl.u32 @!p0 s9, $0x1;
	s10 =	smov.u32 s5;
	p1 =	por !p1, p0  }
0x71: {  	[sflag:s28] =	ssyncset.done $0x0;
	s9 =	sand.u32 @!p0 $0x3F40, s9;
	s10 =	simm.s32 @p1 $0x0  }
0x72: {  	[sflag:s28] =	ssyncadd.s32 $0xFFFFF000;
	s11 =	simm.s32 @p1 $0x3400;
	s9 =	ssub.s32 @!p0 s9, s10  }
0x73: {  	s10 =	simm.s32 @!p0 $0x40;
	s9 =	sadd.s32 @!p0 s9, s11;
	s11 =	simm.s32 @!p0 $0xA800  }
0x74: {  	[tilespmem:s11], [sflag:$0x1] =	stream.indirect.gather @!p0 [hbm4b:s3+s10], $0x80, s9, s10, $0xb8;
	[tilespmem:$0x16800] =	vst v63  }
0x75: {  	s9 =	sadd.s32 @!p0 $0x1A00, s9;
	s11 =	simm.s32 @!p0 $0xC800  }
0x76: {  	[tilespmem:s11], [sflag:$0x1] =	stream.indirect.gather @!p0 [hbm4b:s3+s10], $0x80, s9, s10, $0xb8;
	[tilespmem:$0x16800] =	vst v63  }
0x77: {  	_ =	swait.ge [sflag:s31], $0x2000  }
0x78: {  	[sflag:s31] =	ssyncset.done $0x0  }
0x79: {  	s14 =	sadd.s32 s8, s21;
	[sflag:s31] =	ssyncadd.s32 $0xFFFFE000  }
0x7a: {  	s13 =	simm.s32 $0xE800;
	s9 =	sshll.u32 s14, $0x4;
	_ =	swait.ge [sflag:s31], $0x2000  }
0x7b: {  	s14 =	simm.s32 $0x10;
	s10 =	sadd.s32 s4, s9;
	[sflag:s31] =	ssyncset.done $0x0  }
0x7c: {  	s11 =	simm.s32 $0xE880;
	s29 =	sadd.s32 $0x0, s10;
	[sflag:s31] =	ssyncadd.s32 $0xFFFFE000  }
.LBB2_11:
0x7d: {  	[hbm4b:s29+s2] =	stream.linear.scatter [tilespmem:s13], [sflag:$0x2], $0x40, $0x38;
	[tilespmem:$0x16800] =	vst v63  }
0x7e: {  	s29 =	smov.u32 s14;
	s13 =	smov.u32 s11;
	p1 =	sne.s32 s14, $0x3F0  }
.Ltmp4:
0x7f: {  	s14 =	sadd.s32 $0x10, s14;
	(pc) =	sbr.rel @p1 .LBB2_11-.Ltmp4, $2  }
0x80: {  	_ =	sdelay $0x2  }
0x81: {  	s11 =	sadd.s32 $0x80, s11;
	s29 =	sadd.s32 s29, s10  }
0x82: {  	[hbm4b:s29+s2] =	stream.linear.scatter [tilespmem:s13], [sflag:$0x2], $0x40, $0x38;
	[tilespmem:$0x16800] =	vst v63  }
0x83: {  	s9 =	sadd.s32 s9, s17;
	_ =	swait.ge [sflag:s28], $0x1000  }
0x84: {  	s10 =	simm.s32 $0x10800;
	s13 =	simm.s32 $0x10;
	[sflag:s28] =	ssyncset.done $0x0  }
0x85: {  	s11 =	simm.s32 $0x10880;
	s14 =	sadd.s32 $0x0, s9;
	[sflag:s28] =	ssyncadd.s32 $0xFFFFF000  }
.LBB2_13:
0x86: {  	[hbm4b:s14+s2] =	stream.linear.scatter [tilespmem:s10], [sflag:$0x2], $0x40, $0x38;
	[tilespmem:$0x16800] =	vst v63  }
0x87: {  	s14 =	smov.u32 s13;
	s10 =	smov.u32 s11;
	p1 =	sne.s32 s13, $0x3F0  }
.Ltmp5:
0x88: {  	s13 =	sadd.s32 $0x10, s13;
	(pc) =	sbr.rel @p1 .LBB2_13-.Ltmp5, $2  }
0x89: {  	_ =	sdelay $0x2  }
0x8a: {  	s11 =	sadd.s32 $0x80, s11;
	s14 =	sadd.s32 s14, s9  }
0x8b: {  	[hbm4b:s14+s2] =	stream.linear.scatter [tilespmem:s10], [sflag:$0x2], $0x40, $0x38;
	[tilespmem:$0x16800] =	vst v63  }
0x8c: {  	s9 =	sadd.s32 @!p0 s30, s22  }
0x8d: {  	s10 =	sshrl.u32 @!p0 s9, $0xF  }
0x8e: {  	s11 =	simm.s32 @!p0 $0x0;
	_ =	swait.ge [sflag:s28], $0x1000;
	p1 =	seq.s32 @!p0 s10, s6  }
0x8f: {  	s9 =	sshrl.u32 @!p0 s9, $0x1;
	s10 =	smov.u32 s5;
	p1 =	por !p1, p0  }
0x90: {  	[sflag:s28] =	ssyncset.done $0x0;
	s9 =	sand.u32 @!p0 $0x3F80, s9;
	s10 =	simm.s32 @p1 $0x0  }
0x91: {  	[sflag:s28] =	ssyncadd.s32 $0xFFFFF000;
	s11 =	simm.s32 @p1 $0x3400;
	s9 =	ssub.s32 @!p0 s9, s10  }
0x92: {  	s10 =	simm.s32 @!p0 $0x40;
	s9 =	sadd.s32 @!p0 s9, s11;
	s11 =	simm.s32 @!p0 $0xE800  }
0x93: {  	[tilespmem:s11], [sflag:$0x1] =	stream.indirect.gather @!p0 [hbm4b:s3+s10], $0x80, s9, s10, $0xb8;
	[tilespmem:$0x16800] =	vst v63  }
0x94: {  	s9 =	sadd.s32 @!p0 $0x1A00, s9;
	s11 =	simm.s32 @!p0 $0x10800  }
0x95: {  	[tilespmem:s11], [sflag:$0x1] =	stream.indirect.gather @!p0 [hbm4b:s3+s10], $0x80, s9, s10, $0xb8;
	[tilespmem:$0x16800] =	vst v63  }
0x96: {  	_ =	swait.ge [sflag:s31], $0x2000  }
0x97: {  	[sflag:s31] =	ssyncset.done $0x0  }
0x98: {  	s8 =	sadd.s32 s8, s23;
	[sflag:s31] =	ssyncadd.s32 $0xFFFFE000  }
0x99: {  	s13 =	simm.s32 $0x10;
	s8 =	sshll.u32 s8, $0x4;
	_ =	swait.ge [sflag:s31], $0x2000  }
0x9a: {  	s9 =	sadd.s32 s4, s8;
	s10 =	simm.s32 $0x12800;
	[sflag:s31] =	ssyncset.done $0x0  }
0x9b: {  	s11 =	simm.s32 $0x12880;
	s14 =	sadd.s32 $0x0, s9;
	[sflag:s31] =	ssyncadd.s32 $0xFFFFE000  }
.LBB2_15:
0x9c: {  	[hbm4b:s14+s2] =	stream.linear.scatter [tilespmem:s10], [sflag:$0x2], $0x40, $0x38;
	[tilespmem:$0x16800] =	vst v63  }
0x9d: {  	s14 =	smov.u32 s13;
	s10 =	smov.u32 s11;
	p1 =	sne.s32 s13, $0x3F0  }
.Ltmp6:
0x9e: {  	s13 =	sadd.s32 $0x10, s13;
	(pc) =	sbr.rel @p1 .LBB2_15-.Ltmp6, $2  }
0x9f: {  	_ =	sdelay $0x2  }
0xa0: {  	s11 =	sadd.s32 $0x80, s11;
	s14 =	sadd.s32 s14, s9  }
0xa1: {  	[hbm4b:s14+s2] =	stream.linear.scatter [tilespmem:s10], [sflag:$0x2], $0x40, $0x38;
	[tilespmem:$0x16800] =	vst v63  }
0xa2: {  	s8 =	sadd.s32 s8, s17;
	_ =	swait.ge [sflag:s28], $0x1000  }
0xa3: {  	s9 =	simm.s32 $0x14800;
	s10 =	simm.s32 $0x10;
	[sflag:s28] =	ssyncset.done $0x0  }
0xa4: {  	s11 =	simm.s32 $0x14880;
	s13 =	sadd.s32 $0x0, s8;
	[sflag:s28] =	ssyncadd.s32 $0xFFFFF000  }
.LBB2_17:
0xa5: {  	[hbm4b:s13+s2] =	stream.linear.scatter [tilespmem:s9], [sflag:$0x2], $0x40, $0x38;
	[tilespmem:$0x16800] =	vst v63  }
0xa6: {  	s13 =	smov.u32 s10;
	s9 =	smov.u32 s11;
	p1 =	sne.s32 s10, $0x3F0  }
.Ltmp7:
0xa7: {  	s10 =	sadd.s32 $0x10, s10;
	(pc) =	sbr.rel @p1 .LBB2_17-.Ltmp7, $2  }
0xa8: {  	_ =	sdelay $0x2  }
0xa9: {  	s11 =	sadd.s32 $0x80, s11;
	s13 =	sadd.s32 s13, s8  }
0xaa: {  	[hbm4b:s13+s2] =	stream.linear.scatter [tilespmem:s9], [sflag:$0x2], $0x40, $0x38;
	[tilespmem:$0x16800] =	vst v63  }
0xab: {  	s8 =	sadd.s32 @!p0 s30, s24  }
0xac: {  	s9 =	sshrl.u32 @!p0 s8, $0xF  }
0xad: {  	s10 =	simm.s32 @!p0 $0x0;
	_ =	swait.ge [sflag:s28], $0x1000;
	p1 =	seq.s32 @!p0 s9, s6  }
0xae: {  	s8 =	sshrl.u32 @!p0 s8, $0x1;
	s9 =	smov.u32 s5;
	p1 =	por !p1, p0  }
0xaf: {  	[sflag:s28] =	ssyncset.done $0x0;
	s8 =	sand.u32 @!p0 $0x3FC0, s8;
	s9 =	simm.s32 @p1 $0x0  }
0xb0: {  	[sflag:s28] =	ssyncadd.s32 $0xFFFFF000;
	s10 =	simm.s32 @p1 $0x3400;
	s8 =	ssub.s32 @!p0 s8, s9  }
0xb1: {  	s9 =	simm.s32 @!p0 $0x40;
	s8 =	sadd.s32 @!p0 s8, s10;
	s10 =	simm.s32 @!p0 $0x12800  }
0xb2: {  	[tilespmem:s10], [sflag:$0x1] =	stream.indirect.gather @!p0 [hbm4b:s3+s9], $0x80, s8, s9, $0xb8;
	[tilespmem:$0x16800] =	vst v63  }
0xb3: {  	p1 =	sne.s32 @!p0 s7, $0x1A;
	s8 =	sadd.s32 @!p0 $0x1A00, s8;
	s10 =	simm.s32 @!p0 $0x14800  }
0xb4: {  	[tilespmem:s10], [sflag:$0x1] =	stream.indirect.gather @!p0 [hbm4b:s3+s9], $0x80, s8, s9, $0xb8;
	[tilespmem:$0x16800] =	vst v63  }
0xb5: {  	p0 =	por p0, !p1  }
.Ltmp8:
0xb6: {  	_ = 	snop;
	(pc) =	sbr.rel @!p0 .LBB2_2-.Ltmp8, $1  }
0xb7: {  	_ =	sdelay $0x3  }
0xb8: {  	s1 =	sadd.s32 $0x1, s1  }
0xb9: {  	p0 =	sne.s32 s1, s25  }
.Ltmp9:
0xba: {  	_ = 	snop;
	(pc) =	sbr.rel @p0 .LBB2_1-.Ltmp9, $1  }
0xbb: {  	_ =	sdelay $0x3  }
0xbc: {  	_ =	sfence.sel $0x180000  }
0xbd: {  	[bflag:$0x0] =	sbarrier.arrive $0xFFFF  }
0xbe: {  	_ =	strace $0x90000047  }
0xbf: {  	s0 =	stileid.u32;
	[bflag:$0x2] =	sbarrier.arrive $0xFFFF  }
0xc0: {  	p0 =	sne.s32 s0, $0x0;
	s0 =	rddreg [dreg:$0x1]  }
0xc1: {  	s0 =	sadd.s32 @!p0 $0x100000, s0  }
0xc2: {  	[sflag:s0] =	ssyncadd.tile.s32 @!p0 $0x1;
	_ =	shalt  }
.Lfunc_end2:
_tile_overlayer_lowered:
.L_overlay_start_2:
0xc3: {  	(tag) =	ssettag $0x2  }
0xc4: {  	s0 =	rddreg [dreg:$0x0];
	s2 =	stileid.u32  }
0xc5: {  	s1 =	rddreg [dreg:$0x1];
	p0 =	sne.s32 s2, $0x0  }
0xc6: {  	s3 =	rddreg [dreg:$0x2];
	[bflag:$0x3] =	sbarrier.arrive $0xFFFF;
	s2 =	simm.s32 @!p0 $0x1C02  }
0xc7: {  	[timem:s3], [sflag:s2] =	dma.local @!p0 [hbm:s0], s1  }
0xc8: {  	s0 =	simm.s32 @!p0 $0x2  }
0xc9: {  	_ =	swait.ge @!p0 [sflag:s0], s1  }
0xca: {  	s1 =	ssub.s32 @!p0 $0x0, s1;
	[sflag:s0] =	ssyncset.done @!p0 $0x0  }
0xcb: {  	[sflag:s0] =	ssyncadd.s32 @!p0 s1  }
0xcc: {  	[bflag:$0x3] =	sbarrier.arrive $0xFFFF  }
0xcd: {  	_ =	shalt  }

</sc_bundles>
